<compile_context>
chip_gen: v7x
topology: tpu7x:2x2x1
jax: 0.10.2.dev20260603
libtpu: 0.0.44.dev20260713+nightly
codegen_flags: <defaults>
</compile_context>

<pallas_src>
import functools
import math

import jax
import jax.numpy as jnp
from jax import lax
from jax.experimental import pallas as pl
from jax.experimental.pallas import tpu as pltpu
from jax.experimental.pallas import tpu_sc as plsc

B = 16384
D = 128
NC = 2
NS = 16
NW = NC * NS
BPW = B // NW
CH = 128
NCHUNK = BPW // CH
SCALE = math.sqrt(D)

_mesh = plsc.VectorSubcoreMesh(core_axis_name="c", subcore_axis_name="s")


@functools.partial(
    pl.kernel,
    mesh=_mesh,
    out_type=jax.ShapeDtypeStruct((B, D), jnp.float32),
    scratch_types=[
        pltpu.VMEM((BPW,), jnp.int32),
        pltpu.VMEM((CH, D), jnp.float32),
        pltpu.VMEM((CH, D), jnp.float32),
        pltpu.VMEM((CH, D), jnp.float32),
        pltpu.VMEM((CH, D), jnp.float32),
        pltpu.VMEM((CH, D), jnp.float32),
        pltpu.VMEM((CH, D), jnp.float32),
        pltpu.SemaphoreType.DMA,
        pltpu.SemaphoreType.DMA,
        pltpu.SemaphoreType.DMA,
        pltpu.SemaphoreType.DMA,
        pltpu.SemaphoreType.DMA,
        pltpu.SemaphoreType.DMA,
        pltpu.SemaphoreType.DMA,
        pltpu.SemaphoreType.DMA,
        pltpu.SemaphoreType.DMA,
        pltpu.SemaphoreType.DMA,
        pltpu.SemaphoreType.DMA,
    ],
)
def _distmult_sc(node_hbm, idx_hbm, table_hbm, out_hbm,
                 idx_v, rows0, rows1, rows2, rows3, node0, node1,
                 sg0, sg1, sg2, sg3, sn0, sn1, so0, so1, so2, so3, so4):
    wid = lax.axis_index("s") * NC + lax.axis_index("c")
    base = wid * BPW
    rows = (rows0, rows1, rows2, rows3)
    node = (node0, node1)
    sg = (sg0, sg1, sg2, sg3)
    sn = (sn0, sn1)
    so = (so0, so1, so2, so3)

    pltpu.sync_copy(idx_hbm.at[pl.ds(base, CH)], idx_v.at[pl.ds(0, CH)])
    gflight = [None] * NCHUNK
    nflight = [None] * NCHUNK
    gflight[0] = pltpu.async_copy(table_hbm.at[idx_v.at[pl.ds(0, CH)]],
                                  rows[0], sg[0])
    nflight[0] = pltpu.async_copy(node_hbm.at[pl.ds(base, CH)], node[0], sn[0])
    pltpu.sync_copy(idx_hbm.at[pl.ds(base + CH, BPW - CH)],
                    idx_v.at[pl.ds(CH, BPW - CH)])
    for c in range(1, NCHUNK):
        gflight[c] = pltpu.async_copy(table_hbm.at[idx_v.at[pl.ds(c * CH, CH)]],
                                      rows[c], sg[c])
    nflight[1] = pltpu.async_copy(node_hbm.at[pl.ds(base + CH, CH)],
                                  node[1], sn[1])
    outflight = []
    for c in range(NCHUNK):
        gflight[c].wait()
        nflight[c].wait()
        last = c == NCHUNK - 1
        spans = ((0, CH // 2), (CH // 2, CH // 2)) if last else ((0, CH),)
        for k, (r0, nr) in enumerate(spans):

            def row_body(r, _, c=c):
                for i in range(D // 16):
                    sl = pl.ds(i * 16, 16)
                    rows[c][r, sl] = rows[c][r, sl] * (node[c % 2][r, sl] * SCALE)
                return 0

            lax.fori_loop(r0, r0 + nr, row_body, 0)
            sem = so4 if (last and k == 1) else so[c]
            outflight.append(pltpu.async_copy(
                rows[c].at[pl.ds(r0, nr)],
                out_hbm.at[pl.ds(base + c * CH + r0, nr)], sem))
        if c + 2 < NCHUNK:
            nflight[c + 2] = pltpu.async_copy(
                node_hbm.at[pl.ds(base + (c + 2) * CH, CH)], node[c % 2],
                sn[c % 2])
    for cp in outflight:
        cp.wait()


def kernel(node_emb, relation, rela_emb_weight):
    idx = relation.astype(jnp.int32)
    return _distmult_sc(node_emb, idx, rela_emb_weight)

# --- scband reference (transcript-rebuilt; emitter-appended) ---
"""Pipeline reference for scband-dist-mult-25658134626702 (READ-ONLY COPY).

The authoritative reference and input builder live on the scoring server;
editing this copy changes nothing except your own understanding.
"""

import jax, jax.numpy as jnp
import numpy as np
import math

N_RELATION = 100000
EMB_SIZE = 128
BATCH = 16384

def setup_inputs(seed: int = 0) -> dict:
    key = jax.random.key(seed)
    k1, k2, k3 = jax.random.split(key, 3)
    node_emb = jax.random.normal(k1, (BATCH, EMB_SIZE), dtype=jnp.float32)
    relation = jax.random.randint(k2, (BATCH,), 0, N_RELATION, dtype=jnp.int64)
    rela_emb_weight = jax.random.normal(k3, (N_RELATION, EMB_SIZE), dtype=jnp.float32) * 0.02
    return {"node_emb": node_emb, "relation": relation, "rela_emb_weight": rela_emb_weight}

def reference(node_emb, relation, rela_emb_weight):
    # embedding lookup (gather)
    r_emb = jnp.take(rela_emb_weight, relation, axis=0)  # [B, emb_size]
    # match rank of node_emb by unsqueezing at dim 1 as needed
    while r_emb.ndim != node_emb.ndim:
        r_emb = jnp.expand_dims(r_emb, 1)
    return node_emb * r_emb * math.sqrt(EMB_SIZE)

if __name__ == "__main__":
    import jax
    _d = setup_inputs()
    print(jax.jit(kernel)(*tuple(_d.values())))

</pallas_src>

<mosaic_0001>
#map = affine_map<(d0, d1) -> (0, 0)>
#map1 = affine_map<(d0, d1) -> (0)>
module attributes {stable_mosaic.version = 14 : i64} {
  func.func @_distmult_sc(%arg0: i32, %arg1: i32, %arg2: memref<16384x128xf32, #tpu.memory_space<hbm>>, %arg3: memref<16384xi32, #tpu.memory_space<hbm>>, %arg4: memref<100000x128xf32, #tpu.memory_space<hbm>>, %arg5: memref<16384x128xf32, #tpu.memory_space<hbm>>, %arg6: memref<512xi32, #tpu.memory_space<vmem>>, %arg7: memref<128x128xf32, #tpu.memory_space<vmem>>, %arg8: memref<128x128xf32, #tpu.memory_space<vmem>>, %arg9: memref<128x128xf32, #tpu.memory_space<vmem>>, %arg10: memref<128x128xf32, #tpu.memory_space<vmem>>, %arg11: memref<128x128xf32, #tpu.memory_space<vmem>>, %arg12: memref<128x128xf32, #tpu.memory_space<vmem>>, %arg13: memref<!tpu.dma_semaphore, #tpu.memory_space<semaphore_mem>>, %arg14: memref<!tpu.dma_semaphore, #tpu.memory_space<semaphore_mem>>, %arg15: memref<!tpu.dma_semaphore, #tpu.memory_space<semaphore_mem>>, %arg16: memref<!tpu.dma_semaphore, #tpu.memory_space<semaphore_mem>>, %arg17: memref<!tpu.dma_semaphore, #tpu.memory_space<semaphore_mem>>, %arg18: memref<!tpu.dma_semaphore, #tpu.memory_space<semaphore_mem>>, %arg19: memref<!tpu.dma_semaphore, #tpu.memory_space<semaphore_mem>>, %arg20: memref<!tpu.dma_semaphore, #tpu.memory_space<semaphore_mem>>, %arg21: memref<!tpu.dma_semaphore, #tpu.memory_space<semaphore_mem>>, %arg22: memref<!tpu.dma_semaphore, #tpu.memory_space<semaphore_mem>>, %arg23: memref<!tpu.dma_semaphore, #tpu.memory_space<semaphore_mem>>) attributes {dimension_semantics = [#tpu.dimension_semantics<core_parallel>, #tpu.dimension_semantics<subcore_parallel>], iteration_bounds = array<i64: 2, 16>, scalar_prefetch = 0 : i64, scratch_operands = 18 : i64, tpu.core_type = #tpu.core_type<sc_vector_subcore>, window_params = [{transform_indices = #map}, {transform_indices = #map1}, {transform_indices = #map}, {transform_indices = #map}]} {
    %mul3A = arith.constant 2 : i32
    %mul3A_0 = arith.muli %arg1, %mul3A : i32
    %add3A = arith.addi %mul3A_0, %arg0 : i32
    %mul3A_1 = arith.constant 512 : i32
    %mul3A_2 = arith.muli %add3A, %mul3A_1 : i32
    "tpu.region"() ({
      %run_scoped3A = tpu.sem_alloc : memref<!tpu.dma_semaphore, #tpu.memory_space<semaphore_mem>>
      %dma_start3A_235 = arith.constant 0 : i32
      %dma_start3A_236 = tpu.memref_slice %arg6[%dma_start3A_235] : memref<512xi32, #tpu.memory_space<vmem>> -> memref<128xi32, #tpu.memory_space<vmem>>
      %dma_start3A_237 = tpu.memref_slice %arg3[%mul3A_2] : memref<16384xi32, #tpu.memory_space<hbm>> -> memref<128xi32, #tpu.memory_space<hbm>>
      %dma_start3A_238 = arith.constant 0 : i32
      %dma_start3A_239 = tpu.memref_slice %arg6[%dma_start3A_238] : memref<512xi32, #tpu.memory_space<vmem>> -> memref<128xi32, #tpu.memory_space<vmem>>
      %dma_start3A_240 = tpu.memref_slice %arg3[%mul3A_2] : memref<16384xi32, #tpu.memory_space<hbm>> -> memref<128xi32, #tpu.memory_space<hbm>>
      tpu.enqueue_dma source(%dma_start3A_240 : memref<128xi32, #tpu.memory_space<hbm>>) target(%dma_start3A_239 : memref<128xi32, #tpu.memory_space<vmem>>) target_semaphore(%run_scoped3A : memref<!tpu.dma_semaphore, #tpu.memory_space<semaphore_mem>>)
      %dma_wait3A_241 = arith.constant 0 : i32
      %dma_wait3A_242 = tpu.memref_slice %arg6[%dma_wait3A_241] : memref<512xi32, #tpu.memory_space<vmem>> -> memref<128xi32, #tpu.memory_space<vmem>>
      %dma_wait3A_243 = tpu.memref_slice %arg3[%mul3A_2] : memref<16384xi32, #tpu.memory_space<hbm>> -> memref<128xi32, #tpu.memory_space<hbm>>
      %dma_wait3A_244 = arith.constant 0 : i32
      %dma_wait3A_245 = tpu.memref_slice %arg6[%dma_wait3A_244] : memref<512xi32, #tpu.memory_space<vmem>> -> memref<128xi32, #tpu.memory_space<vmem>>
      %dma_wait3A_246 = tpu.memref_slice %arg3[%mul3A_2] : memref<16384xi32, #tpu.memory_space<hbm>> -> memref<128xi32, #tpu.memory_space<hbm>>
      tpu.wait_dma2 semaphore(%run_scoped3A : memref<!tpu.dma_semaphore, #tpu.memory_space<semaphore_mem>>) src(%dma_wait3A_246 : memref<128xi32, #tpu.memory_space<hbm>>) dst(%dma_wait3A_245 : memref<128xi32, #tpu.memory_space<vmem>>)
      tpu.yield
    }) : () -> ()
    %dma_start3A = arith.constant 0 : i32
    %dma_start3A_3 = tpu.memref_slice %arg6[%dma_start3A] : memref<512xi32, #tpu.memory_space<vmem>> -> memref<128xi32, #tpu.memory_space<vmem>>
    %dma_start3A_4 = arith.constant 0 : i32
    %dma_start3A_5 = arith.constant 0 : i32
    %dma_start3A_6 = tpu.memref_slice %arg4[%dma_start3A_4, %dma_start3A_5] : memref<100000x128xf32, #tpu.memory_space<hbm>> -> memref<100000x128xf32, #tpu.memory_space<hbm>>
    tpu.enqueue_indirect_dma source(%dma_start3A_6 : memref<100000x128xf32, #tpu.memory_space<hbm>>) target(%arg7 : memref<128x128xf32, #tpu.memory_space<vmem>>) offsets(%dma_start3A_3 : memref<128xi32, #tpu.memory_space<vmem>>) semaphore(%arg13 : memref<!tpu.dma_semaphore, #tpu.memory_space<semaphore_mem>>)
    %dma_start3A_7 = arith.constant 0 : i32
    %dma_start3A_8 = tpu.memref_slice %arg2[%mul3A_2, %dma_start3A_7] : memref<16384x128xf32, #tpu.memory_space<hbm>> -> memref<128x128xf32, #tpu.memory_space<hbm>>
    %dma_start3A_9 = arith.constant 0 : i32
    %dma_start3A_10 = tpu.memref_slice %arg2[%mul3A_2, %dma_start3A_9] : memref<16384x128xf32, #tpu.memory_space<hbm>> -> memref<128x128xf32, #tpu.memory_space<hbm>>
    tpu.enqueue_dma source(%dma_start3A_10 : memref<128x128xf32, #tpu.memory_space<hbm>>) target(%arg11 : memref<128x128xf32, #tpu.memory_space<vmem>>) target_semaphore(%arg17 : memref<!tpu.dma_semaphore, #tpu.memory_space<semaphore_mem>>)
    %add3A_11 = arith.constant 128 : i32
    %add3A_12 = arith.addi %mul3A_2, %add3A_11 : i32
    "tpu.region"() ({
      %run_scoped3A = tpu.sem_alloc : memref<!tpu.dma_semaphore, #tpu.memory_space<semaphore_mem>>
      %dma_start3A_235 = arith.constant 128 : i32
      %dma_start3A_236 = tpu.memref_slice %arg6[%dma_start3A_235] : memref<512xi32, #tpu.memory_space<vmem>> -> memref<384xi32, #tpu.memory_space<vmem>>
      %dma_start3A_237 = tpu.memref_slice %arg3[%add3A_12] : memref<16384xi32, #tpu.memory_space<hbm>> -> memref<384xi32, #tpu.memory_space<hbm>>
      %dma_start3A_238 = arith.constant 128 : i32
      %dma_start3A_239 = tpu.memref_slice %arg6[%dma_start3A_238] : memref<512xi32, #tpu.memory_space<vmem>> -> memref<384xi32, #tpu.memory_space<vmem>>
      %dma_start3A_240 = tpu.memref_slice %arg3[%add3A_12] : memref<16384xi32, #tpu.memory_space<hbm>> -> memref<384xi32, #tpu.memory_space<hbm>>
      tpu.enqueue_dma source(%dma_start3A_240 : memref<384xi32, #tpu.memory_space<hbm>>) target(%dma_start3A_239 : memref<384xi32, #tpu.memory_space<vmem>>) target_semaphore(%run_scoped3A : memref<!tpu.dma_semaphore, #tpu.memory_space<semaphore_mem>>)
      %dma_wait3A_241 = arith.constant 128 : i32
      %dma_wait3A_242 = tpu.memref_slice %arg6[%dma_wait3A_241] : memref<512xi32, #tpu.memory_space<vmem>> -> memref<384xi32, #tpu.memory_space<vmem>>
      %dma_wait3A_243 = tpu.memref_slice %arg3[%add3A_12] : memref<16384xi32, #tpu.memory_space<hbm>> -> memref<384xi32, #tpu.memory_space<hbm>>
      %dma_wait3A_244 = arith.constant 128 : i32
      %dma_wait3A_245 = tpu.memref_slice %arg6[%dma_wait3A_244] : memref<512xi32, #tpu.memory_space<vmem>> -> memref<384xi32, #tpu.memory_space<vmem>>
      %dma_wait3A_246 = tpu.memref_slice %arg3[%add3A_12] : memref<16384xi32, #tpu.memory_space<hbm>> -> memref<384xi32, #tpu.memory_space<hbm>>
      tpu.wait_dma2 semaphore(%run_scoped3A : memref<!tpu.dma_semaphore, #tpu.memory_space<semaphore_mem>>) src(%dma_wait3A_246 : memref<384xi32, #tpu.memory_space<hbm>>) dst(%dma_wait3A_245 : memref<384xi32, #tpu.memory_space<vmem>>)
      tpu.yield
    }) : () -> ()
    %dma_start3A_13 = arith.constant 128 : i32
    %dma_start3A_14 = tpu.memref_slice %arg6[%dma_start3A_13] : memref<512xi32, #tpu.memory_space<vmem>> -> memref<128xi32, #tpu.memory_space<vmem>>
    %dma_start3A_15 = arith.constant 0 : i32
    %dma_start3A_16 = arith.constant 0 : i32
    %dma_start3A_17 = tpu.memref_slice %arg4[%dma_start3A_15, %dma_start3A_16] : memref<100000x128xf32, #tpu.memory_space<hbm>> -> memref<100000x128xf32, #tpu.memory_space<hbm>>
    tpu.enqueue_indirect_dma source(%dma_start3A_17 : memref<100000x128xf32, #tpu.memory_space<hbm>>) target(%arg8 : memref<128x128xf32, #tpu.memory_space<vmem>>) offsets(%dma_start3A_14 : memref<128xi32, #tpu.memory_space<vmem>>) semaphore(%arg14 : memref<!tpu.dma_semaphore, #tpu.memory_space<semaphore_mem>>)
    %dma_start3A_18 = arith.constant 256 : i32
    %dma_start3A_19 = tpu.memref_slice %arg6[%dma_start3A_18] : memref<512xi32, #tpu.memory_space<vmem>> -> memref<128xi32, #tpu.memory_space<vmem>>
    %dma_start3A_20 = arith.constant 0 : i32
    %dma_start3A_21 = arith.constant 0 : i32
    %dma_start3A_22 = tpu.memref_slice %arg4[%dma_start3A_20, %dma_start3A_21] : memref<100000x128xf32, #tpu.memory_space<hbm>> -> memref<100000x128xf32, #tpu.memory_space<hbm>>
    tpu.enqueue_indirect_dma source(%dma_start3A_22 : memref<100000x128xf32, #tpu.memory_space<hbm>>) target(%arg9 : memref<128x128xf32, #tpu.memory_space<vmem>>) offsets(%dma_start3A_19 : memref<128xi32, #tpu.memory_space<vmem>>) semaphore(%arg15 : memref<!tpu.dma_semaphore, #tpu.memory_space<semaphore_mem>>)
    %dma_start3A_23 = arith.constant 384 : i32
    %dma_start3A_24 = tpu.memref_slice %arg6[%dma_start3A_23] : memref<512xi32, #tpu.memory_space<vmem>> -> memref<128xi32, #tpu.memory_space<vmem>>
    %dma_start3A_25 = arith.constant 0 : i32
    %dma_start3A_26 = arith.constant 0 : i32
    %dma_start3A_27 = tpu.memref_slice %arg4[%dma_start3A_25, %dma_start3A_26] : memref<100000x128xf32, #tpu.memory_space<hbm>> -> memref<100000x128xf32, #tpu.memory_space<hbm>>
    tpu.enqueue_indirect_dma source(%dma_start3A_27 : memref<100000x128xf32, #tpu.memory_space<hbm>>) target(%arg10 : memref<128x128xf32, #tpu.memory_space<vmem>>) offsets(%dma_start3A_24 : memref<128xi32, #tpu.memory_space<vmem>>) semaphore(%arg16 : memref<!tpu.dma_semaphore, #tpu.memory_space<semaphore_mem>>)
    %add3A_28 = arith.constant 128 : i32
    %add3A_29 = arith.addi %mul3A_2, %add3A_28 : i32
    %dma_start3A_30 = arith.constant 0 : i32
    %dma_start3A_31 = tpu.memref_slice %arg2[%add3A_29, %dma_start3A_30] : memref<16384x128xf32, #tpu.memory_space<hbm>> -> memref<128x128xf32, #tpu.memory_space<hbm>>
    %dma_start3A_32 = arith.constant 0 : i32
    %dma_start3A_33 = tpu.memref_slice %arg2[%add3A_29, %dma_start3A_32] : memref<16384x128xf32, #tpu.memory_space<hbm>> -> memref<128x128xf32, #tpu.memory_space<hbm>>
    tpu.enqueue_dma source(%dma_start3A_33 : memref<128x128xf32, #tpu.memory_space<hbm>>) target(%arg12 : memref<128x128xf32, #tpu.memory_space<vmem>>) target_semaphore(%arg18 : memref<!tpu.dma_semaphore, #tpu.memory_space<semaphore_mem>>)
    %dma_wait3A = arith.constant 0 : i32
    %dma_wait3A_34 = tpu.memref_slice %arg6[%dma_wait3A] : memref<512xi32, #tpu.memory_space<vmem>> -> memref<128xi32, #tpu.memory_space<vmem>>
    %dma_wait3A_35 = arith.constant 0 : i32
    %dma_wait3A_36 = arith.constant 0 : i32
    %dma_wait3A_37 = tpu.memref_slice %arg4[%dma_wait3A_35, %dma_wait3A_36] : memref<100000x128xf32, #tpu.memory_space<hbm>> -> memref<100000x128xf32, #tpu.memory_space<hbm>>
    tpu.wait_indirect_dma semaphore(%arg13 : memref<!tpu.dma_semaphore, #tpu.memory_space<semaphore_mem>>) src(%dma_wait3A_37 : memref<100000x128xf32, #tpu.memory_space<hbm>>) dst(%arg7 : memref<128x128xf32, #tpu.memory_space<vmem>>)
    %dma_wait3A_38 = arith.constant 0 : i32
    %dma_wait3A_39 = tpu.memref_slice %arg2[%mul3A_2, %dma_wait3A_38] : memref<16384x128xf32, #tpu.memory_space<hbm>> -> memref<128x128xf32, #tpu.memory_space<hbm>>
    %dma_wait3A_40 = arith.constant 0 : i32
    %dma_wait3A_41 = tpu.memref_slice %arg2[%mul3A_2, %dma_wait3A_40] : memref<16384x128xf32, #tpu.memory_space<hbm>> -> memref<128x128xf32, #tpu.memory_space<hbm>>
    tpu.wait_dma2 semaphore(%arg17 : memref<!tpu.dma_semaphore, #tpu.memory_space<semaphore_mem>>) src(%dma_wait3A_41 : memref<128x128xf32, #tpu.memory_space<hbm>>) dst(%arg11 : memref<128x128xf32, #tpu.memory_space<vmem>>)
    %scan3A = arith.constant 0 : i32
    %scan3A_42 = arith.constant 0 : i32
    %scan3A_43 = arith.constant 128 : i32
    %scan3A_44 = arith.addi %scan3A_42, %scan3A_43 : i32
    %scan3A_45 = arith.constant 1 : i32
    %scan3A_46 = scf.for %scan3A_235 = %scan3A_42 to %scan3A_44 step %scan3A_45 iter_args(%scan3A_236 = %scan3A) -> (i32)  : i32 {
      %get3A = arith.index_cast %scan3A_235 : i32 to index
      %get3A_237 = arith.constant 0 : index
      %get3A_238 = tpu.vector_load %arg7[%get3A, %get3A_237] {strides = array<i32>} : memref<128x128xf32, #tpu.memory_space<vmem>>, vector<1x16xf32>,
      %get3A_239 = vector.shape_cast %get3A_238 : vector<1x16xf32> to vector<16xf32>
      %get3A_240 = arith.index_cast %scan3A_235 : i32 to index
      %get3A_241 = arith.constant 0 : index
      %get3A_242 = tpu.vector_load %arg11[%get3A_240, %get3A_241] {strides = array<i32>} : memref<128x128xf32, #tpu.memory_space<vmem>>, vector<1x16xf32>,
      %get3A_243 = vector.shape_cast %get3A_242 : vector<1x16xf32> to vector<16xf32>
      %mul3A_244 = arith.constant 11.3137083 : f32
      %mul3A_245 = vector.broadcast %mul3A_244 : f32 to vector<16xf32>
      %mul3A_246 = arith.mulf %get3A_243, %mul3A_245 : vector<16xf32>
      %mul3A_247 = arith.mulf %get3A_239, %mul3A_246 : vector<16xf32>
      %swap3A = arith.index_cast %scan3A_235 : i32 to index
      %swap3A_248 = arith.constant 0 : index
      %swap3A_249 = tpu.vector_load %arg7[%swap3A, %swap3A_248] {strides = array<i32>} : memref<128x128xf32, #tpu.memory_space<vmem>>, vector<1x16xf32>,
      %swap3A_250 = vector.shape_cast %swap3A_249 : vector<1x16xf32> to vector<16xf32>
      %swap3A_251 = vector.shape_cast %mul3A_247 : vector<16xf32> to vector<1x16xf32>
      tpu.vector_store %arg7[%swap3A, %swap3A_248], %swap3A_251 {strides = array<i32>} : memref<128x128xf32, #tpu.memory_space<vmem>>, vector<1x16xf32>,
      %get3A_252 = arith.index_cast %scan3A_235 : i32 to index
      %get3A_253 = arith.constant 16 : index
      %get3A_254 = tpu.vector_load %arg7[%get3A_252, %get3A_253] {strides = array<i32>} : memref<128x128xf32, #tpu.memory_space<vmem>>, vector<1x16xf32>,
      %get3A_255 = vector.shape_cast %get3A_254 : vector<1x16xf32> to vector<16xf32>
      %get3A_256 = arith.index_cast %scan3A_235 : i32 to index
      %get3A_257 = arith.constant 16 : index
      %get3A_258 = tpu.vector_load %arg11[%get3A_256, %get3A_257] {strides = array<i32>} : memref<128x128xf32, #tpu.memory_space<vmem>>, vector<1x16xf32>,
      %get3A_259 = vector.shape_cast %get3A_258 : vector<1x16xf32> to vector<16xf32>
      %mul3A_260 = arith.constant 11.3137083 : f32
      %mul3A_261 = vector.broadcast %mul3A_260 : f32 to vector<16xf32>
      %mul3A_262 = arith.mulf %get3A_259, %mul3A_261 : vector<16xf32>
      %mul3A_263 = arith.mulf %get3A_255, %mul3A_262 : vector<16xf32>
      %swap3A_264 = arith.index_cast %scan3A_235 : i32 to index
      %swap3A_265 = arith.constant 16 : index
      %swap3A_266 = tpu.vector_load %arg7[%swap3A_264, %swap3A_265] {strides = array<i32>} : memref<128x128xf32, #tpu.memory_space<vmem>>, vector<1x16xf32>,
      %swap3A_267 = vector.shape_cast %swap3A_266 : vector<1x16xf32> to vector<16xf32>
      %swap3A_268 = vector.shape_cast %mul3A_263 : vector<16xf32> to vector<1x16xf32>
      tpu.vector_store %arg7[%swap3A_264, %swap3A_265], %swap3A_268 {strides = array<i32>} : memref<128x128xf32, #tpu.memory_space<vmem>>, vector<1x16xf32>,
      %get3A_269 = arith.index_cast %scan3A_235 : i32 to index
      %get3A_270 = arith.constant 32 : index
      %get3A_271 = tpu.vector_load %arg7[%get3A_269, %get3A_270] {strides = array<i32>} : memref<128x128xf32, #tpu.memory_space<vmem>>, vector<1x16xf32>,
      %get3A_272 = vector.shape_cast %get3A_271 : vector<1x16xf32> to vector<16xf32>
      %get3A_273 = arith.index_cast %scan3A_235 : i32 to index
      %get3A_274 = arith.constant 32 : index
      %get3A_275 = tpu.vector_load %arg11[%get3A_273, %get3A_274] {strides = array<i32>} : memref<128x128xf32, #tpu.memory_space<vmem>>, vector<1x16xf32>,
      %get3A_276 = vector.shape_cast %get3A_275 : vector<1x16xf32> to vector<16xf32>
      %mul3A_277 = arith.constant 11.3137083 : f32
      %mul3A_278 = vector.broadcast %mul3A_277 : f32 to vector<16xf32>
      %mul3A_279 = arith.mulf %get3A_276, %mul3A_278 : vector<16xf32>
      %mul3A_280 = arith.mulf %get3A_272, %mul3A_279 : vector<16xf32>
      %swap3A_281 = arith.index_cast %scan3A_235 : i32 to index
      %swap3A_282 = arith.constant 32 : index
      %swap3A_283 = tpu.vector_load %arg7[%swap3A_281, %swap3A_282] {strides = array<i32>} : memref<128x128xf32, #tpu.memory_space<vmem>>, vector<1x16xf32>,
      %swap3A_284 = vector.shape_cast %swap3A_283 : vector<1x16xf32> to vector<16xf32>
      %swap3A_285 = vector.shape_cast %mul3A_280 : vector<16xf32> to vector<1x16xf32>
      tpu.vector_store %arg7[%swap3A_281, %swap3A_282], %swap3A_285 {strides = array<i32>} : memref<128x128xf32, #tpu.memory_space<vmem>>, vector<1x16xf32>,
      %get3A_286 = arith.index_cast %scan3A_235 : i32 to index
      %get3A_287 = arith.constant 48 : index
      %get3A_288 = tpu.vector_load %arg7[%get3A_286, %get3A_287] {strides = array<i32>} : memref<128x128xf32, #tpu.memory_space<vmem>>, vector<1x16xf32>,
      %get3A_289 = vector.shape_cast %get3A_288 : vector<1x16xf32> to vector<16xf32>
      %get3A_290 = arith.index_cast %scan3A_235 : i32 to index
      %get3A_291 = arith.constant 48 : index
      %get3A_292 = tpu.vector_load %arg11[%get3A_290, %get3A_291] {strides = array<i32>} : memref<128x128xf32, #tpu.memory_space<vmem>>, vector<1x16xf32>,
      %get3A_293 = vector.shape_cast %get3A_292 : vector<1x16xf32> to vector<16xf32>
      %mul3A_294 = arith.constant 11.3137083 : f32
      %mul3A_295 = vector.broadcast %mul3A_294 : f32 to vector<16xf32>
      %mul3A_296 = arith.mulf %get3A_293, %mul3A_295 : vector<16xf32>
      %mul3A_297 = arith.mulf %get3A_289, %mul3A_296 : vector<16xf32>
      %swap3A_298 = arith.index_cast %scan3A_235 : i32 to index
      %swap3A_299 = arith.constant 48 : index
      %swap3A_300 = tpu.vector_load %arg7[%swap3A_298, %swap3A_299] {strides = array<i32>} : memref<128x128xf32, #tpu.memory_space<vmem>>, vector<1x16xf32>,
      %swap3A_301 = vector.shape_cast %swap3A_300 : vector<1x16xf32> to vector<16xf32>
      %swap3A_302 = vector.shape_cast %mul3A_297 : vector<16xf32> to vector<1x16xf32>
      tpu.vector_store %arg7[%swap3A_298, %swap3A_299], %swap3A_302 {strides = array<i32>} : memref<128x128xf32, #tpu.memory_space<vmem>>, vector<1x16xf32>,
      %get3A_303 = arith.index_cast %scan3A_235 : i32 to index
      %get3A_304 = arith.constant 64 : index
      %get3A_305 = tpu.vector_load %arg7[%get3A_303, %get3A_304] {strides = array<i32>} : memref<128x128xf32, #tpu.memory_space<vmem>>, vector<1x16xf32>,
      %get3A_306 = vector.shape_cast %get3A_305 : vector<1x16xf32> to vector<16xf32>
      %get3A_307 = arith.index_cast %scan3A_235 : i32 to index
      %get3A_308 = arith.constant 64 : index
      %get3A_309 = tpu.vector_load %arg11[%get3A_307, %get3A_308] {strides = array<i32>} : memref<128x128xf32, #tpu.memory_space<vmem>>, vector<1x16xf32>,
      %get3A_310 = vector.shape_cast %get3A_309 : vector<1x16xf32> to vector<16xf32>
      %mul3A_311 = arith.constant 11.3137083 : f32
      %mul3A_312 = vector.broadcast %mul3A_311 : f32 to vector<16xf32>
      %mul3A_313 = arith.mulf %get3A_310, %mul3A_312 : vector<16xf32>
      %mul3A_314 = arith.mulf %get3A_306, %mul3A_313 : vector<16xf32>
      %swap3A_315 = arith.index_cast %scan3A_235 : i32 to index
      %swap3A_316 = arith.constant 64 : index
      %swap3A_317 = tpu.vector_load %arg7[%swap3A_315, %swap3A_316] {strides = array<i32>} : memref<128x128xf32, #tpu.memory_space<vmem>>, vector<1x16xf32>,
      %swap3A_318 = vector.shape_cast %swap3A_317 : vector<1x16xf32> to vector<16xf32>
      %swap3A_319 = vector.shape_cast %mul3A_314 : vector<16xf32> to vector<1x16xf32>
      tpu.vector_store %arg7[%swap3A_315, %swap3A_316], %swap3A_319 {strides = array<i32>} : memref<128x128xf32, #tpu.memory_space<vmem>>, vector<1x16xf32>,
      %get3A_320 = arith.index_cast %scan3A_235 : i32 to index
      %get3A_321 = arith.constant 80 : index
      %get3A_322 = tpu.vector_load %arg7[%get3A_320, %get3A_321] {strides = array<i32>} : memref<128x128xf32, #tpu.memory_space<vmem>>, vector<1x16xf32>,
      %get3A_323 = vector.shape_cast %get3A_322 : vector<1x16xf32> to vector<16xf32>
      %get3A_324 = arith.index_cast %scan3A_235 : i32 to index
      %get3A_325 = arith.constant 80 : index
      %get3A_326 = tpu.vector_load %arg11[%get3A_324, %get3A_325] {strides = array<i32>} : memref<128x128xf32, #tpu.memory_space<vmem>>, vector<1x16xf32>,
      %get3A_327 = vector.shape_cast %get3A_326 : vector<1x16xf32> to vector<16xf32>
      %mul3A_328 = arith.constant 11.3137083 : f32
      %mul3A_329 = vector.broadcast %mul3A_328 : f32 to vector<16xf32>
      %mul3A_330 = arith.mulf %get3A_327, %mul3A_329 : vector<16xf32>
      %mul3A_331 = arith.mulf %get3A_323, %mul3A_330 : vector<16xf32>
      %swap3A_332 = arith.index_cast %scan3A_235 : i32 to index
      %swap3A_333 = arith.constant 80 : index
      %swap3A_334 = tpu.vector_load %arg7[%swap3A_332, %swap3A_333] {strides = array<i32>} : memref<128x128xf32, #tpu.memory_space<vmem>>, vector<1x16xf32>,
      %swap3A_335 = vector.shape_cast %swap3A_334 : vector<1x16xf32> to vector<16xf32>
      %swap3A_336 = vector.shape_cast %mul3A_331 : vector<16xf32> to vector<1x16xf32>
      tpu.vector_store %arg7[%swap3A_332, %swap3A_333], %swap3A_336 {strides = array<i32>} : memref<128x128xf32, #tpu.memory_space<vmem>>, vector<1x16xf32>,
      %get3A_337 = arith.index_cast %scan3A_235 : i32 to index
      %get3A_338 = arith.constant 96 : index
      %get3A_339 = tpu.vector_load %arg7[%get3A_337, %get3A_338] {strides = array<i32>} : memref<128x128xf32, #tpu.memory_space<vmem>>, vector<1x16xf32>,
      %get3A_340 = vector.shape_cast %get3A_339 : vector<1x16xf32> to vector<16xf32>
      %get3A_341 = arith.index_cast %scan3A_235 : i32 to index
      %get3A_342 = arith.constant 96 : index
      %get3A_343 = tpu.vector_load %arg11[%get3A_341, %get3A_342] {strides = array<i32>} : memref<128x128xf32, #tpu.memory_space<vmem>>, vector<1x16xf32>,
      %get3A_344 = vector.shape_cast %get3A_343 : vector<1x16xf32> to vector<16xf32>
      %mul3A_345 = arith.constant 11.3137083 : f32
      %mul3A_346 = vector.broadcast %mul3A_345 : f32 to vector<16xf32>
      %mul3A_347 = arith.mulf %get3A_344, %mul3A_346 : vector<16xf32>
      %mul3A_348 = arith.mulf %get3A_340, %mul3A_347 : vector<16xf32>
      %swap3A_349 = arith.index_cast %scan3A_235 : i32 to index
      %swap3A_350 = arith.constant 96 : index
      %swap3A_351 = tpu.vector_load %arg7[%swap3A_349, %swap3A_350] {strides = array<i32>} : memref<128x128xf32, #tpu.memory_space<vmem>>, vector<1x16xf32>,
      %swap3A_352 = vector.shape_cast %swap3A_351 : vector<1x16xf32> to vector<16xf32>
      %swap3A_353 = vector.shape_cast %mul3A_348 : vector<16xf32> to vector<1x16xf32>
      tpu.vector_store %arg7[%swap3A_349, %swap3A_350], %swap3A_353 {strides = array<i32>} : memref<128x128xf32, #tpu.memory_space<vmem>>, vector<1x16xf32>,
      %get3A_354 = arith.index_cast %scan3A_235 : i32 to index
      %get3A_355 = arith.constant 112 : index
      %get3A_356 = tpu.vector_load %arg7[%get3A_354, %get3A_355] {strides = array<i32>} : memref<128x128xf32, #tpu.memory_space<vmem>>, vector<1x16xf32>,
      %get3A_357 = vector.shape_cast %get3A_356 : vector<1x16xf32> to vector<16xf32>
      %get3A_358 = arith.index_cast %scan3A_235 : i32 to index
      %get3A_359 = arith.constant 112 : index
      %get3A_360 = tpu.vector_load %arg11[%get3A_358, %get3A_359] {strides = array<i32>} : memref<128x128xf32, #tpu.memory_space<vmem>>, vector<1x16xf32>,
      %get3A_361 = vector.shape_cast %get3A_360 : vector<1x16xf32> to vector<16xf32>
      %mul3A_362 = arith.constant 11.3137083 : f32
      %mul3A_363 = vector.broadcast %mul3A_362 : f32 to vector<16xf32>
      %mul3A_364 = arith.mulf %get3A_361, %mul3A_363 : vector<16xf32>
      %mul3A_365 = arith.mulf %get3A_357, %mul3A_364 : vector<16xf32>
      %swap3A_366 = arith.index_cast %scan3A_235 : i32 to index
      %swap3A_367 = arith.constant 112 : index
      %swap3A_368 = tpu.vector_load %arg7[%swap3A_366, %swap3A_367] {strides = array<i32>} : memref<128x128xf32, #tpu.memory_space<vmem>>, vector<1x16xf32>,
      %swap3A_369 = vector.shape_cast %swap3A_368 : vector<1x16xf32> to vector<16xf32>
      %swap3A_370 = vector.shape_cast %mul3A_365 : vector<16xf32> to vector<1x16xf32>
      tpu.vector_store %arg7[%swap3A_366, %swap3A_367], %swap3A_370 {strides = array<i32>} : memref<128x128xf32, #tpu.memory_space<vmem>>, vector<1x16xf32>,
      %scan3A_371 = arith.constant 0 : i32
      scf.yield %scan3A_371 : i32
    }
    %scan3A_47 = arith.constant 128 : i32
    %add3A_48 = arith.constant 0 : i32
    %add3A_49 = arith.addi %mul3A_2, %add3A_48 : i32
    %add3A_50 = arith.constant 0 : i32
    %add3A_51 = arith.addi %add3A_49, %add3A_50 : i32
    %dma_start3A_52 = arith.constant 0 : i32
    %dma_start3A_53 = arith.constant 0 : i32
    %dma_start3A_54 = tpu.memref_slice %arg7[%dma_start3A_52, %dma_start3A_53] : memref<128x128xf32, #tpu.memory_space<vmem>> -> memref<128x128xf32, #tpu.memory_space<vmem>>
    %dma_start3A_55 = arith.constant 0 : i32
    %dma_start3A_56 = tpu.memref_slice %arg5[%add3A_51, %dma_start3A_55] : memref<16384x128xf32, #tpu.memory_space<hbm>> -> memref<128x128xf32, #tpu.memory_space<hbm>>
    %dma_start3A_57 = arith.constant 0 : i32
    %dma_start3A_58 = tpu.memref_slice %arg5[%add3A_51, %dma_start3A_57] : memref<16384x128xf32, #tpu.memory_space<hbm>> -> memref<128x128xf32, #tpu.memory_space<hbm>>
    %dma_start3A_59 = arith.constant 0 : i32
    %dma_start3A_60 = arith.constant 0 : i32
    %dma_start3A_61 = tpu.memref_slice %arg7[%dma_start3A_59, %dma_start3A_60] : memref<128x128xf32, #tpu.memory_space<vmem>> -> memref<128x128xf32, #tpu.memory_space<vmem>>
    tpu.enqueue_dma source(%dma_start3A_61 : memref<128x128xf32, #tpu.memory_space<vmem>>) target(%dma_start3A_58 : memref<128x128xf32, #tpu.memory_space<hbm>>) target_semaphore(%arg19 : memref<!tpu.dma_semaphore, #tpu.memory_space<semaphore_mem>>)
    %add3A_62 = arith.constant 256 : i32
    %add3A_63 = arith.addi %mul3A_2, %add3A_62 : i32
    %dma_start3A_64 = arith.constant 0 : i32
    %dma_start3A_65 = tpu.memref_slice %arg2[%add3A_63, %dma_start3A_64] : memref<16384x128xf32, #tpu.memory_space<hbm>> -> memref<128x128xf32, #tpu.memory_space<hbm>>
    %dma_start3A_66 = arith.constant 0 : i32
    %dma_start3A_67 = tpu.memref_slice %arg2[%add3A_63, %dma_start3A_66] : memref<16384x128xf32, #tpu.memory_space<hbm>> -> memref<128x128xf32, #tpu.memory_space<hbm>>
    tpu.enqueue_dma source(%dma_start3A_67 : memref<128x128xf32, #tpu.memory_space<hbm>>) target(%arg11 : memref<128x128xf32, #tpu.memory_space<vmem>>) target_semaphore(%arg17 : memref<!tpu.dma_semaphore, #tpu.memory_space<semaphore_mem>>)
    %dma_wait3A_68 = arith.constant 128 : i32
    %dma_wait3A_69 = tpu.memref_slice %arg6[%dma_wait3A_68] : memref<512xi32, #tpu.memory_space<vmem>> -> memref<128xi32, #tpu.memory_space<vmem>>
    %dma_wait3A_70 = arith.constant 0 : i32
    %dma_wait3A_71 = arith.constant 0 : i32
    %dma_wait3A_72 = tpu.memref_slice %arg4[%dma_wait3A_70, %dma_wait3A_71] : memref<100000x128xf32, #tpu.memory_space<hbm>> -> memref<100000x128xf32, #tpu.memory_space<hbm>>
    tpu.wait_indirect_dma semaphore(%arg14 : memref<!tpu.dma_semaphore, #tpu.memory_space<semaphore_mem>>) src(%dma_wait3A_72 : memref<100000x128xf32, #tpu.memory_space<hbm>>) dst(%arg8 : memref<128x128xf32, #tpu.memory_space<vmem>>)
    %dma_wait3A_73 = arith.constant 0 : i32
    %dma_wait3A_74 = tpu.memref_slice %arg2[%add3A_29, %dma_wait3A_73] : memref<16384x128xf32, #tpu.memory_space<hbm>> -> memref<128x128xf32, #tpu.memory_space<hbm>>
    %dma_wait3A_75 = arith.constant 0 : i32
    %dma_wait3A_76 = tpu.memref_slice %arg2[%add3A_29, %dma_wait3A_75] : memref<16384x128xf32, #tpu.memory_space<hbm>> -> memref<128x128xf32, #tpu.memory_space<hbm>>
    tpu.wait_dma2 semaphore(%arg18 : memref<!tpu.dma_semaphore, #tpu.memory_space<semaphore_mem>>) src(%dma_wait3A_76 : memref<128x128xf32, #tpu.memory_space<hbm>>) dst(%arg12 : memref<128x128xf32, #tpu.memory_space<vmem>>)
    %scan3A_77 = arith.constant 0 : i32
    %scan3A_78 = arith.constant 0 : i32
    %scan3A_79 = arith.constant 128 : i32
    %scan3A_80 = arith.addi %scan3A_78, %scan3A_79 : i32
    %scan3A_81 = arith.constant 1 : i32
    %scan3A_82 = scf.for %scan3A_235 = %scan3A_78 to %scan3A_80 step %scan3A_81 iter_args(%scan3A_236 = %scan3A_77) -> (i32)  : i32 {
      %get3A = arith.index_cast %scan3A_235 : i32 to index
      %get3A_237 = arith.constant 0 : index
      %get3A_238 = tpu.vector_load %arg8[%get3A, %get3A_237] {strides = array<i32>} : memref<128x128xf32, #tpu.memory_space<vmem>>, vector<1x16xf32>,
      %get3A_239 = vector.shape_cast %get3A_238 : vector<1x16xf32> to vector<16xf32>
      %get3A_240 = arith.index_cast %scan3A_235 : i32 to index
      %get3A_241 = arith.constant 0 : index
      %get3A_242 = tpu.vector_load %arg12[%get3A_240, %get3A_241] {strides = array<i32>} : memref<128x128xf32, #tpu.memory_space<vmem>>, vector<1x16xf32>,
      %get3A_243 = vector.shape_cast %get3A_242 : vector<1x16xf32> to vector<16xf32>
      %mul3A_244 = arith.constant 11.3137083 : f32
      %mul3A_245 = vector.broadcast %mul3A_244 : f32 to vector<16xf32>
      %mul3A_246 = arith.mulf %get3A_243, %mul3A_245 : vector<16xf32>
      %mul3A_247 = arith.mulf %get3A_239, %mul3A_246 : vector<16xf32>
      %swap3A = arith.index_cast %scan3A_235 : i32 to index
      %swap3A_248 = arith.constant 0 : index
      %swap3A_249 = tpu.vector_load %arg8[%swap3A, %swap3A_248] {strides = array<i32>} : memref<128x128xf32, #tpu.memory_space<vmem>>, vector<1x16xf32>,
      %swap3A_250 = vector.shape_cast %swap3A_249 : vector<1x16xf32> to vector<16xf32>
      %swap3A_251 = vector.shape_cast %mul3A_247 : vector<16xf32> to vector<1x16xf32>
      tpu.vector_store %arg8[%swap3A, %swap3A_248], %swap3A_251 {strides = array<i32>} : memref<128x128xf32, #tpu.memory_space<vmem>>, vector<1x16xf32>,
      %get3A_252 = arith.index_cast %scan3A_235 : i32 to index
      %get3A_253 = arith.constant 16 : index
      %get3A_254 = tpu.vector_load %arg8[%get3A_252, %get3A_253] {strides = array<i32>} : memref<128x128xf32, #tpu.memory_space<vmem>>, vector<1x16xf32>,
      %get3A_255 = vector.shape_cast %get3A_254 : vector<1x16xf32> to vector<16xf32>
      %get3A_256 = arith.index_cast %scan3A_235 : i32 to index
      %get3A_257 = arith.constant 16 : index
      %get3A_258 = tpu.vector_load %arg12[%get3A_256, %get3A_257] {strides = array<i32>} : memref<128x128xf32, #tpu.memory_space<vmem>>, vector<1x16xf32>,
      %get3A_259 = vector.shape_cast %get3A_258 : vector<1x16xf32> to vector<16xf32>
      %mul3A_260 = arith.constant 11.3137083 : f32
      %mul3A_261 = vector.broadcast %mul3A_260 : f32 to vector<16xf32>
      %mul3A_262 = arith.mulf %get3A_259, %mul3A_261 : vector<16xf32>
      %mul3A_263 = arith.mulf %get3A_255, %mul3A_262 : vector<16xf32>
      %swap3A_264 = arith.index_cast %scan3A_235 : i32 to index
      %swap3A_265 = arith.constant 16 : index
      %swap3A_266 = tpu.vector_load %arg8[%swap3A_264, %swap3A_265] {strides = array<i32>} : memref<128x128xf32, #tpu.memory_space<vmem>>, vector<1x16xf32>,
      %swap3A_267 = vector.shape_cast %swap3A_266 : vector<1x16xf32> to vector<16xf32>
      %swap3A_268 = vector.shape_cast %mul3A_263 : vector<16xf32> to vector<1x16xf32>
      tpu.vector_store %arg8[%swap3A_264, %swap3A_265], %swap3A_268 {strides = array<i32>} : memref<128x128xf32, #tpu.memory_space<vmem>>, vector<1x16xf32>,
      %get3A_269 = arith.index_cast %scan3A_235 : i32 to index
      %get3A_270 = arith.constant 32 : index
      %get3A_271 = tpu.vector_load %arg8[%get3A_269, %get3A_270] {strides = array<i32>} : memref<128x128xf32, #tpu.memory_space<vmem>>, vector<1x16xf32>,
      %get3A_272 = vector.shape_cast %get3A_271 : vector<1x16xf32> to vector<16xf32>
      %get3A_273 = arith.index_cast %scan3A_235 : i32 to index
      %get3A_274 = arith.constant 32 : index
      %get3A_275 = tpu.vector_load %arg12[%get3A_273, %get3A_274] {strides = array<i32>} : memref<128x128xf32, #tpu.memory_space<vmem>>, vector<1x16xf32>,
      %get3A_276 = vector.shape_cast %get3A_275 : vector<1x16xf32> to vector<16xf32>
      %mul3A_277 = arith.constant 11.3137083 : f32
      %mul3A_278 = vector.broadcast %mul3A_277 : f32 to vector<16xf32>
      %mul3A_279 = arith.mulf %get3A_276, %mul3A_278 : vector<16xf32>
      %mul3A_280 = arith.mulf %get3A_272, %mul3A_279 : vector<16xf32>
      %swap3A_281 = arith.index_cast %scan3A_235 : i32 to index
      %swap3A_282 = arith.constant 32 : index
      %swap3A_283 = tpu.vector_load %arg8[%swap3A_281, %swap3A_282] {strides = array<i32>} : memref<128x128xf32, #tpu.memory_space<vmem>>, vector<1x16xf32>,
      %swap3A_284 = vector.shape_cast %swap3A_283 : vector<1x16xf32> to vector<16xf32>
      %swap3A_285 = vector.shape_cast %mul3A_280 : vector<16xf32> to vector<1x16xf32>
      tpu.vector_store %arg8[%swap3A_281, %swap3A_282], %swap3A_285 {strides = array<i32>} : memref<128x128xf32, #tpu.memory_space<vmem>>, vector<1x16xf32>,
      %get3A_286 = arith.index_cast %scan3A_235 : i32 to index
      %get3A_287 = arith.constant 48 : index
      %get3A_288 = tpu.vector_load %arg8[%get3A_286, %get3A_287] {strides = array<i32>} : memref<128x128xf32, #tpu.memory_space<vmem>>, vector<1x16xf32>,
      %get3A_289 = vector.shape_cast %get3A_288 : vector<1x16xf32> to vector<16xf32>
      %get3A_290 = arith.index_cast %scan3A_235 : i32 to index
      %get3A_291 = arith.constant 48 : index
      %get3A_292 = tpu.vector_load %arg12[%get3A_290, %get3A_291] {strides = array<i32>} : memref<128x128xf32, #tpu.memory_space<vmem>>, vector<1x16xf32>,
      %get3A_293 = vector.shape_cast %get3A_292 : vector<1x16xf32> to vector<16xf32>
      %mul3A_294 = arith.constant 11.3137083 : f32
      %mul3A_295 = vector.broadcast %mul3A_294 : f32 to vector<16xf32>
      %mul3A_296 = arith.mulf %get3A_293, %mul3A_295 : vector<16xf32>
      %mul3A_297 = arith.mulf %get3A_289, %mul3A_296 : vector<16xf32>
      %swap3A_298 = arith.index_cast %scan3A_235 : i32 to index
      %swap3A_299 = arith.constant 48 : index
      %swap3A_300 = tpu.vector_load %arg8[%swap3A_298, %swap3A_299] {strides = array<i32>} : memref<128x128xf32, #tpu.memory_space<vmem>>, vector<1x16xf32>,
      %swap3A_301 = vector.shape_cast %swap3A_300 : vector<1x16xf32> to vector<16xf32>
      %swap3A_302 = vector.shape_cast %mul3A_297 : vector<16xf32> to vector<1x16xf32>
      tpu.vector_store %arg8[%swap3A_298, %swap3A_299], %swap3A_302 {strides = array<i32>} : memref<128x128xf32, #tpu.memory_space<vmem>>, vector<1x16xf32>,
      %get3A_303 = arith.index_cast %scan3A_235 : i32 to index
      %get3A_304 = arith.constant 64 : index
      %get3A_305 = tpu.vector_load %arg8[%get3A_303, %get3A_304] {strides = array<i32>} : memref<128x128xf32, #tpu.memory_space<vmem>>, vector<1x16xf32>,
      %get3A_306 = vector.shape_cast %get3A_305 : vector<1x16xf32> to vector<16xf32>
      %get3A_307 = arith.index_cast %scan3A_235 : i32 to index
      %get3A_308 = arith.constant 64 : index
      %get3A_309 = tpu.vector_load %arg12[%get3A_307, %get3A_308] {strides = array<i32>} : memref<128x128xf32, #tpu.memory_space<vmem>>, vector<1x16xf32>,
      %get3A_310 = vector.shape_cast %get3A_309 : vector<1x16xf32> to vector<16xf32>
      %mul3A_311 = arith.constant 11.3137083 : f32
      %mul3A_312 = vector.broadcast %mul3A_311 : f32 to vector<16xf32>
      %mul3A_313 = arith.mulf %get3A_310, %mul3A_312 : vector<16xf32>
      %mul3A_314 = arith.mulf %get3A_306, %mul3A_313 : vector<16xf32>
      %swap3A_315 = arith.index_cast %scan3A_235 : i32 to index
      %swap3A_316 = arith.constant 64 : index
      %swap3A_317 = tpu.vector_load %arg8[%swap3A_315, %swap3A_316] {strides = array<i32>} : memref<128x128xf32, #tpu.memory_space<vmem>>, vector<1x16xf32>,
      %swap3A_318 = vector.shape_cast %swap3A_317 : vector<1x16xf32> to vector<16xf32>
      %swap3A_319 = vector.shape_cast %mul3A_314 : vector<16xf32> to vector<1x16xf32>
      tpu.vector_store %arg8[%swap3A_315, %swap3A_316], %swap3A_319 {strides = array<i32>} : memref<128x128xf32, #tpu.memory_space<vmem>>, vector<1x16xf32>,
      %get3A_320 = arith.index_cast %scan3A_235 : i32 to index
      %get3A_321 = arith.constant 80 : index
      %get3A_322 = tpu.vector_load %arg8[%get3A_320, %get3A_321] {strides = array<i32>} : memref<128x128xf32, #tpu.memory_space<vmem>>, vector<1x16xf32>,
      %get3A_323 = vector.shape_cast %get3A_322 : vector<1x16xf32> to vector<16xf32>
      %get3A_324 = arith.index_cast %scan3A_235 : i32 to index
      %get3A_325 = arith.constant 80 : index
      %get3A_326 = tpu.vector_load %arg12[%get3A_324, %get3A_325] {strides = array<i32>} : memref<128x128xf32, #tpu.memory_space<vmem>>, vector<1x16xf32>,
      %get3A_327 = vector.shape_cast %get3A_326 : vector<1x16xf32> to vector<16xf32>
      %mul3A_328 = arith.constant 11.3137083 : f32
      %mul3A_329 = vector.broadcast %mul3A_328 : f32 to vector<16xf32>
      %mul3A_330 = arith.mulf %get3A_327, %mul3A_329 : vector<16xf32>
      %mul3A_331 = arith.mulf %get3A_323, %mul3A_330 : vector<16xf32>
      %swap3A_332 = arith.index_cast %scan3A_235 : i32 to index
      %swap3A_333 = arith.constant 80 : index
      %swap3A_334 = tpu.vector_load %arg8[%swap3A_332, %swap3A_333] {strides = array<i32>} : memref<128x128xf32, #tpu.memory_space<vmem>>, vector<1x16xf32>,
      %swap3A_335 = vector.shape_cast %swap3A_334 : vector<1x16xf32> to vector<16xf32>
      %swap3A_336 = vector.shape_cast %mul3A_331 : vector<16xf32> to vector<1x16xf32>
      tpu.vector_store %arg8[%swap3A_332, %swap3A_333], %swap3A_336 {strides = array<i32>} : memref<128x128xf32, #tpu.memory_space<vmem>>, vector<1x16xf32>,
      %get3A_337 = arith.index_cast %scan3A_235 : i32 to index
      %get3A_338 = arith.constant 96 : index
      %get3A_339 = tpu.vector_load %arg8[%get3A_337, %get3A_338] {strides = array<i32>} : memref<128x128xf32, #tpu.memory_space<vmem>>, vector<1x16xf32>,
      %get3A_340 = vector.shape_cast %get3A_339 : vector<1x16xf32> to vector<16xf32>
      %get3A_341 = arith.index_cast %scan3A_235 : i32 to index
      %get3A_342 = arith.constant 96 : index
      %get3A_343 = tpu.vector_load %arg12[%get3A_341, %get3A_342] {strides = array<i32>} : memref<128x128xf32, #tpu.memory_space<vmem>>, vector<1x16xf32>,
      %get3A_344 = vector.shape_cast %get3A_343 : vector<1x16xf32> to vector<16xf32>
      %mul3A_345 = arith.constant 11.3137083 : f32
      %mul3A_346 = vector.broadcast %mul3A_345 : f32 to vector<16xf32>
      %mul3A_347 = arith.mulf %get3A_344, %mul3A_346 : vector<16xf32>
      %mul3A_348 = arith.mulf %get3A_340, %mul3A_347 : vector<16xf32>
      %swap3A_349 = arith.index_cast %scan3A_235 : i32 to index
      %swap3A_350 = arith.constant 96 : index
      %swap3A_351 = tpu.vector_load %arg8[%swap3A_349, %swap3A_350] {strides = array<i32>} : memref<128x128xf32, #tpu.memory_space<vmem>>, vector<1x16xf32>,
      %swap3A_352 = vector.shape_cast %swap3A_351 : vector<1x16xf32> to vector<16xf32>
      %swap3A_353 = vector.shape_cast %mul3A_348 : vector<16xf32> to vector<1x16xf32>
      tpu.vector_store %arg8[%swap3A_349, %swap3A_350], %swap3A_353 {strides = array<i32>} : memref<128x128xf32, #tpu.memory_space<vmem>>, vector<1x16xf32>,
      %get3A_354 = arith.index_cast %scan3A_235 : i32 to index
      %get3A_355 = arith.constant 112 : index
      %get3A_356 = tpu.vector_load %arg8[%get3A_354, %get3A_355] {strides = array<i32>} : memref<128x128xf32, #tpu.memory_space<vmem>>, vector<1x16xf32>,
      %get3A_357 = vector.shape_cast %get3A_356 : vector<1x16xf32> to vector<16xf32>
      %get3A_358 = arith.index_cast %scan3A_235 : i32 to index
      %get3A_359 = arith.constant 112 : index
      %get3A_360 = tpu.vector_load %arg12[%get3A_358, %get3A_359] {strides = array<i32>} : memref<128x128xf32, #tpu.memory_space<vmem>>, vector<1x16xf32>,
      %get3A_361 = vector.shape_cast %get3A_360 : vector<1x16xf32> to vector<16xf32>
      %mul3A_362 = arith.constant 11.3137083 : f32
      %mul3A_363 = vector.broadcast %mul3A_362 : f32 to vector<16xf32>
      %mul3A_364 = arith.mulf %get3A_361, %mul3A_363 : vector<16xf32>
      %mul3A_365 = arith.mulf %get3A_357, %mul3A_364 : vector<16xf32>
      %swap3A_366 = arith.index_cast %scan3A_235 : i32 to index
      %swap3A_367 = arith.constant 112 : index
      %swap3A_368 = tpu.vector_load %arg8[%swap3A_366, %swap3A_367] {strides = array<i32>} : memref<128x128xf32, #tpu.memory_space<vmem>>, vector<1x16xf32>,
      %swap3A_369 = vector.shape_cast %swap3A_368 : vector<1x16xf32> to vector<16xf32>
      %swap3A_370 = vector.shape_cast %mul3A_365 : vector<16xf32> to vector<1x16xf32>
      tpu.vector_store %arg8[%swap3A_366, %swap3A_367], %swap3A_370 {strides = array<i32>} : memref<128x128xf32, #tpu.memory_space<vmem>>, vector<1x16xf32>,
      %scan3A_371 = arith.constant 0 : i32
      scf.yield %scan3A_371 : i32
    }
    %scan3A_83 = arith.constant 128 : i32
    %add3A_84 = arith.constant 128 : i32
    %add3A_85 = arith.addi %mul3A_2, %add3A_84 : i32
    %add3A_86 = arith.constant 0 : i32
    %add3A_87 = arith.addi %add3A_85, %add3A_86 : i32
    %dma_start3A_88 = arith.constant 0 : i32
    %dma_start3A_89 = arith.constant 0 : i32
    %dma_start3A_90 = tpu.memref_slice %arg8[%dma_start3A_88, %dma_start3A_89] : memref<128x128xf32, #tpu.memory_space<vmem>> -> memref<128x128xf32, #tpu.memory_space<vmem>>
    %dma_start3A_91 = arith.constant 0 : i32
    %dma_start3A_92 = tpu.memref_slice %arg5[%add3A_87, %dma_start3A_91] : memref<16384x128xf32, #tpu.memory_space<hbm>> -> memref<128x128xf32, #tpu.memory_space<hbm>>
    %dma_start3A_93 = arith.constant 0 : i32
    %dma_start3A_94 = tpu.memref_slice %arg5[%add3A_87, %dma_start3A_93] : memref<16384x128xf32, #tpu.memory_space<hbm>> -> memref<128x128xf32, #tpu.memory_space<hbm>>
    %dma_start3A_95 = arith.constant 0 : i32
    %dma_start3A_96 = arith.constant 0 : i32
    %dma_start3A_97 = tpu.memref_slice %arg8[%dma_start3A_95, %dma_start3A_96] : memref<128x128xf32, #tpu.memory_space<vmem>> -> memref<128x128xf32, #tpu.memory_space<vmem>>
    tpu.enqueue_dma source(%dma_start3A_97 : memref<128x128xf32, #tpu.memory_space<vmem>>) target(%dma_start3A_94 : memref<128x128xf32, #tpu.memory_space<hbm>>) target_semaphore(%arg20 : memref<!tpu.dma_semaphore, #tpu.memory_space<semaphore_mem>>)
    %add3A_98 = arith.constant 384 : i32
    %add3A_99 = arith.addi %mul3A_2, %add3A_98 : i32
    %dma_start3A_100 = arith.constant 0 : i32
    %dma_start3A_101 = tpu.memref_slice %arg2[%add3A_99, %dma_start3A_100] : memref<16384x128xf32, #tpu.memory_space<hbm>> -> memref<128x128xf32, #tpu.memory_space<hbm>>
    %dma_start3A_102 = arith.constant 0 : i32
    %dma_start3A_103 = tpu.memref_slice %arg2[%add3A_99, %dma_start3A_102] : memref<16384x128xf32, #tpu.memory_space<hbm>> -> memref<128x128xf32, #tpu.memory_space<hbm>>
    tpu.enqueue_dma source(%dma_start3A_103 : memref<128x128xf32, #tpu.memory_space<hbm>>) target(%arg12 : memref<128x128xf32, #tpu.memory_space<vmem>>) target_semaphore(%arg18 : memref<!tpu.dma_semaphore, #tpu.memory_space<semaphore_mem>>)
    %dma_wait3A_104 = arith.constant 256 : i32
    %dma_wait3A_105 = tpu.memref_slice %arg6[%dma_wait3A_104] : memref<512xi32, #tpu.memory_space<vmem>> -> memref<128xi32, #tpu.memory_space<vmem>>
    %dma_wait3A_106 = arith.constant 0 : i32
    %dma_wait3A_107 = arith.constant 0 : i32
    %dma_wait3A_108 = tpu.memref_slice %arg4[%dma_wait3A_106, %dma_wait3A_107] : memref<100000x128xf32, #tpu.memory_space<hbm>> -> memref<100000x128xf32, #tpu.memory_space<hbm>>
    tpu.wait_indirect_dma semaphore(%arg15 : memref<!tpu.dma_semaphore, #tpu.memory_space<semaphore_mem>>) src(%dma_wait3A_108 : memref<100000x128xf32, #tpu.memory_space<hbm>>) dst(%arg9 : memref<128x128xf32, #tpu.memory_space<vmem>>)
    %dma_wait3A_109 = arith.constant 0 : i32
    %dma_wait3A_110 = tpu.memref_slice %arg2[%add3A_63, %dma_wait3A_109] : memref<16384x128xf32, #tpu.memory_space<hbm>> -> memref<128x128xf32, #tpu.memory_space<hbm>>
    %dma_wait3A_111 = arith.constant 0 : i32
    %dma_wait3A_112 = tpu.memref_slice %arg2[%add3A_63, %dma_wait3A_111] : memref<16384x128xf32, #tpu.memory_space<hbm>> -> memref<128x128xf32, #tpu.memory_space<hbm>>
    tpu.wait_dma2 semaphore(%arg17 : memref<!tpu.dma_semaphore, #tpu.memory_space<semaphore_mem>>) src(%dma_wait3A_112 : memref<128x128xf32, #tpu.memory_space<hbm>>) dst(%arg11 : memref<128x128xf32, #tpu.memory_space<vmem>>)
    %scan3A_113 = arith.constant 0 : i32
    %scan3A_114 = arith.constant 0 : i32
    %scan3A_115 = arith.constant 128 : i32
    %scan3A_116 = arith.addi %scan3A_114, %scan3A_115 : i32
    %scan3A_117 = arith.constant 1 : i32
    %scan3A_118 = scf.for %scan3A_235 = %scan3A_114 to %scan3A_116 step %scan3A_117 iter_args(%scan3A_236 = %scan3A_113) -> (i32)  : i32 {
      %get3A = arith.index_cast %scan3A_235 : i32 to index
      %get3A_237 = arith.constant 0 : index
      %get3A_238 = tpu.vector_load %arg9[%get3A, %get3A_237] {strides = array<i32>} : memref<128x128xf32, #tpu.memory_space<vmem>>, vector<1x16xf32>,
      %get3A_239 = vector.shape_cast %get3A_238 : vector<1x16xf32> to vector<16xf32>
      %get3A_240 = arith.index_cast %scan3A_235 : i32 to index
      %get3A_241 = arith.constant 0 : index
      %get3A_242 = tpu.vector_load %arg11[%get3A_240, %get3A_241] {strides = array<i32>} : memref<128x128xf32, #tpu.memory_space<vmem>>, vector<1x16xf32>,
      %get3A_243 = vector.shape_cast %get3A_242 : vector<1x16xf32> to vector<16xf32>
      %mul3A_244 = arith.constant 11.3137083 : f32
      %mul3A_245 = vector.broadcast %mul3A_244 : f32 to vector<16xf32>
      %mul3A_246 = arith.mulf %get3A_243, %mul3A_245 : vector<16xf32>
      %mul3A_247 = arith.mulf %get3A_239, %mul3A_246 : vector<16xf32>
      %swap3A = arith.index_cast %scan3A_235 : i32 to index
      %swap3A_248 = arith.constant 0 : index
      %swap3A_249 = tpu.vector_load %arg9[%swap3A, %swap3A_248] {strides = array<i32>} : memref<128x128xf32, #tpu.memory_space<vmem>>, vector<1x16xf32>,
      %swap3A_250 = vector.shape_cast %swap3A_249 : vector<1x16xf32> to vector<16xf32>
      %swap3A_251 = vector.shape_cast %mul3A_247 : vector<16xf32> to vector<1x16xf32>
      tpu.vector_store %arg9[%swap3A, %swap3A_248], %swap3A_251 {strides = array<i32>} : memref<128x128xf32, #tpu.memory_space<vmem>>, vector<1x16xf32>,
      %get3A_252 = arith.index_cast %scan3A_235 : i32 to index
      %get3A_253 = arith.constant 16 : index
      %get3A_254 = tpu.vector_load %arg9[%get3A_252, %get3A_253] {strides = array<i32>} : memref<128x128xf32, #tpu.memory_space<vmem>>, vector<1x16xf32>,
      %get3A_255 = vector.shape_cast %get3A_254 : vector<1x16xf32> to vector<16xf32>
      %get3A_256 = arith.index_cast %scan3A_235 : i32 to index
      %get3A_257 = arith.constant 16 : index
      %get3A_258 = tpu.vector_load %arg11[%get3A_256, %get3A_257] {strides = array<i32>} : memref<128x128xf32, #tpu.memory_space<vmem>>, vector<1x16xf32>,
      %get3A_259 = vector.shape_cast %get3A_258 : vector<1x16xf32> to vector<16xf32>
      %mul3A_260 = arith.constant 11.3137083 : f32
      %mul3A_261 = vector.broadcast %mul3A_260 : f32 to vector<16xf32>
      %mul3A_262 = arith.mulf %get3A_259, %mul3A_261 : vector<16xf32>
      %mul3A_263 = arith.mulf %get3A_255, %mul3A_262 : vector<16xf32>
      %swap3A_264 = arith.index_cast %scan3A_235 : i32 to index
      %swap3A_265 = arith.constant 16 : index
      %swap3A_266 = tpu.vector_load %arg9[%swap3A_264, %swap3A_265] {strides = array<i32>} : memref<128x128xf32, #tpu.memory_space<vmem>>, vector<1x16xf32>,
      %swap3A_267 = vector.shape_cast %swap3A_266 : vector<1x16xf32> to vector<16xf32>
      %swap3A_268 = vector.shape_cast %mul3A_263 : vector<16xf32> to vector<1x16xf32>
      tpu.vector_store %arg9[%swap3A_264, %swap3A_265], %swap3A_268 {strides = array<i32>} : memref<128x128xf32, #tpu.memory_space<vmem>>, vector<1x16xf32>,
      %get3A_269 = arith.index_cast %scan3A_235 : i32 to index
      %get3A_270 = arith.constant 32 : index
      %get3A_271 = tpu.vector_load %arg9[%get3A_269, %get3A_270] {strides = array<i32>} : memref<128x128xf32, #tpu.memory_space<vmem>>, vector<1x16xf32>,
      %get3A_272 = vector.shape_cast %get3A_271 : vector<1x16xf32> to vector<16xf32>
      %get3A_273 = arith.index_cast %scan3A_235 : i32 to index
      %get3A_274 = arith.constant 32 : index
      %get3A_275 = tpu.vector_load %arg11[%get3A_273, %get3A_274] {strides = array<i32>} : memref<128x128xf32, #tpu.memory_space<vmem>>, vector<1x16xf32>,
      %get3A_276 = vector.shape_cast %get3A_275 : vector<1x16xf32> to vector<16xf32>
      %mul3A_277 = arith.constant 11.3137083 : f32
      %mul3A_278 = vector.broadcast %mul3A_277 : f32 to vector<16xf32>
      %mul3A_279 = arith.mulf %get3A_276, %mul3A_278 : vector<16xf32>
      %mul3A_280 = arith.mulf %get3A_272, %mul3A_279 : vector<16xf32>
      %swap3A_281 = arith.index_cast %scan3A_235 : i32 to index
      %swap3A_282 = arith.constant 32 : index
      %swap3A_283 = tpu.vector_load %arg9[%swap3A_281, %swap3A_282] {strides = array<i32>} : memref<128x128xf32, #tpu.memory_space<vmem>>, vector<1x16xf32>,
      %swap3A_284 = vector.shape_cast %swap3A_283 : vector<1x16xf32> to vector<16xf32>
      %swap3A_285 = vector.shape_cast %mul3A_280 : vector<16xf32> to vector<1x16xf32>
      tpu.vector_store %arg9[%swap3A_281, %swap3A_282], %swap3A_285 {strides = array<i32>} : memref<128x128xf32, #tpu.memory_space<vmem>>, vector<1x16xf32>,
      %get3A_286 = arith.index_cast %scan3A_235 : i32 to index
      %get3A_287 = arith.constant 48 : index
      %get3A_288 = tpu.vector_load %arg9[%get3A_286, %get3A_287] {strides = array<i32>} : memref<128x128xf32, #tpu.memory_space<vmem>>, vector<1x16xf32>,
      %get3A_289 = vector.shape_cast %get3A_288 : vector<1x16xf32> to vector<16xf32>
      %get3A_290 = arith.index_cast %scan3A_235 : i32 to index
      %get3A_291 = arith.constant 48 : index
      %get3A_292 = tpu.vector_load %arg11[%get3A_290, %get3A_291] {strides = array<i32>} : memref<128x128xf32, #tpu.memory_space<vmem>>, vector<1x16xf32>,
      %get3A_293 = vector.shape_cast %get3A_292 : vector<1x16xf32> to vector<16xf32>
      %mul3A_294 = arith.constant 11.3137083 : f32
      %mul3A_295 = vector.broadcast %mul3A_294 : f32 to vector<16xf32>
      %mul3A_296 = arith.mulf %get3A_293, %mul3A_295 : vector<16xf32>
      %mul3A_297 = arith.mulf %get3A_289, %mul3A_296 : vector<16xf32>
      %swap3A_298 = arith.index_cast %scan3A_235 : i32 to index
      %swap3A_299 = arith.constant 48 : index
      %swap3A_300 = tpu.vector_load %arg9[%swap3A_298, %swap3A_299] {strides = array<i32>} : memref<128x128xf32, #tpu.memory_space<vmem>>, vector<1x16xf32>,
      %swap3A_301 = vector.shape_cast %swap3A_300 : vector<1x16xf32> to vector<16xf32>
      %swap3A_302 = vector.shape_cast %mul3A_297 : vector<16xf32> to vector<1x16xf32>
      tpu.vector_store %arg9[%swap3A_298, %swap3A_299], %swap3A_302 {strides = array<i32>} : memref<128x128xf32, #tpu.memory_space<vmem>>, vector<1x16xf32>,
      %get3A_303 = arith.index_cast %scan3A_235 : i32 to index
      %get3A_304 = arith.constant 64 : index
      %get3A_305 = tpu.vector_load %arg9[%get3A_303, %get3A_304] {strides = array<i32>} : memref<128x128xf32, #tpu.memory_space<vmem>>, vector<1x16xf32>,
      %get3A_306 = vector.shape_cast %get3A_305 : vector<1x16xf32> to vector<16xf32>
      %get3A_307 = arith.index_cast %scan3A_235 : i32 to index
      %get3A_308 = arith.constant 64 : index
      %get3A_309 = tpu.vector_load %arg11[%get3A_307, %get3A_308] {strides = array<i32>} : memref<128x128xf32, #tpu.memory_space<vmem>>, vector<1x16xf32>,
      %get3A_310 = vector.shape_cast %get3A_309 : vector<1x16xf32> to vector<16xf32>
      %mul3A_311 = arith.constant 11.3137083 : f32
      %mul3A_312 = vector.broadcast %mul3A_311 : f32 to vector<16xf32>
      %mul3A_313 = arith.mulf %get3A_310, %mul3A_312 : vector<16xf32>
      %mul3A_314 = arith.mulf %get3A_306, %mul3A_313 : vector<16xf32>
      %swap3A_315 = arith.index_cast %scan3A_235 : i32 to index
      %swap3A_316 = arith.constant 64 : index
      %swap3A_317 = tpu.vector_load %arg9[%swap3A_315, %swap3A_316] {strides = array<i32>} : memref<128x128xf32, #tpu.memory_space<vmem>>, vector<1x16xf32>,
      %swap3A_318 = vector.shape_cast %swap3A_317 : vector<1x16xf32> to vector<16xf32>
      %swap3A_319 = vector.shape_cast %mul3A_314 : vector<16xf32> to vector<1x16xf32>
      tpu.vector_store %arg9[%swap3A_315, %swap3A_316], %swap3A_319 {strides = array<i32>} : memref<128x128xf32, #tpu.memory_space<vmem>>, vector<1x16xf32>,
      %get3A_320 = arith.index_cast %scan3A_235 : i32 to index
      %get3A_321 = arith.constant 80 : index
      %get3A_322 = tpu.vector_load %arg9[%get3A_320, %get3A_321] {strides = array<i32>} : memref<128x128xf32, #tpu.memory_space<vmem>>, vector<1x16xf32>,
      %get3A_323 = vector.shape_cast %get3A_322 : vector<1x16xf32> to vector<16xf32>
      %get3A_324 = arith.index_cast %scan3A_235 : i32 to index
      %get3A_325 = arith.constant 80 : index
      %get3A_326 = tpu.vector_load %arg11[%get3A_324, %get3A_325] {strides = array<i32>} : memref<128x128xf32, #tpu.memory_space<vmem>>, vector<1x16xf32>,
      %get3A_327 = vector.shape_cast %get3A_326 : vector<1x16xf32> to vector<16xf32>
      %mul3A_328 = arith.constant 11.3137083 : f32
      %mul3A_329 = vector.broadcast %mul3A_328 : f32 to vector<16xf32>
      %mul3A_330 = arith.mulf %get3A_327, %mul3A_329 : vector<16xf32>
      %mul3A_331 = arith.mulf %get3A_323, %mul3A_330 : vector<16xf32>
      %swap3A_332 = arith.index_cast %scan3A_235 : i32 to index
      %swap3A_333 = arith.constant 80 : index
      %swap3A_334 = tpu.vector_load %arg9[%swap3A_332, %swap3A_333] {strides = array<i32>} : memref<128x128xf32, #tpu.memory_space<vmem>>, vector<1x16xf32>,
      %swap3A_335 = vector.shape_cast %swap3A_334 : vector<1x16xf32> to vector<16xf32>
      %swap3A_336 = vector.shape_cast %mul3A_331 : vector<16xf32> to vector<1x16xf32>
      tpu.vector_store %arg9[%swap3A_332, %swap3A_333], %swap3A_336 {strides = array<i32>} : memref<128x128xf32, #tpu.memory_space<vmem>>, vector<1x16xf32>,
      %get3A_337 = arith.index_cast %scan3A_235 : i32 to index
      %get3A_338 = arith.constant 96 : index
      %get3A_339 = tpu.vector_load %arg9[%get3A_337, %get3A_338] {strides = array<i32>} : memref<128x128xf32, #tpu.memory_space<vmem>>, vector<1x16xf32>,
      %get3A_340 = vector.shape_cast %get3A_339 : vector<1x16xf32> to vector<16xf32>
      %get3A_341 = arith.index_cast %scan3A_235 : i32 to index
      %get3A_342 = arith.constant 96 : index
      %get3A_343 = tpu.vector_load %arg11[%get3A_341, %get3A_342] {strides = array<i32>} : memref<128x128xf32, #tpu.memory_space<vmem>>, vector<1x16xf32>,
      %get3A_344 = vector.shape_cast %get3A_343 : vector<1x16xf32> to vector<16xf32>
      %mul3A_345 = arith.constant 11.3137083 : f32
      %mul3A_346 = vector.broadcast %mul3A_345 : f32 to vector<16xf32>
      %mul3A_347 = arith.mulf %get3A_344, %mul3A_346 : vector<16xf32>
      %mul3A_348 = arith.mulf %get3A_340, %mul3A_347 : vector<16xf32>
      %swap3A_349 = arith.index_cast %scan3A_235 : i32 to index
      %swap3A_350 = arith.constant 96 : index
      %swap3A_351 = tpu.vector_load %arg9[%swap3A_349, %swap3A_350] {strides = array<i32>} : memref<128x128xf32, #tpu.memory_space<vmem>>, vector<1x16xf32>,
      %swap3A_352 = vector.shape_cast %swap3A_351 : vector<1x16xf32> to vector<16xf32>
      %swap3A_353 = vector.shape_cast %mul3A_348 : vector<16xf32> to vector<1x16xf32>
      tpu.vector_store %arg9[%swap3A_349, %swap3A_350], %swap3A_353 {strides = array<i32>} : memref<128x128xf32, #tpu.memory_space<vmem>>, vector<1x16xf32>,
      %get3A_354 = arith.index_cast %scan3A_235 : i32 to index
      %get3A_355 = arith.constant 112 : index
      %get3A_356 = tpu.vector_load %arg9[%get3A_354, %get3A_355] {strides = array<i32>} : memref<128x128xf32, #tpu.memory_space<vmem>>, vector<1x16xf32>,
      %get3A_357 = vector.shape_cast %get3A_356 : vector<1x16xf32> to vector<16xf32>
      %get3A_358 = arith.index_cast %scan3A_235 : i32 to index
      %get3A_359 = arith.constant 112 : index
      %get3A_360 = tpu.vector_load %arg11[%get3A_358, %get3A_359] {strides = array<i32>} : memref<128x128xf32, #tpu.memory_space<vmem>>, vector<1x16xf32>,
      %get3A_361 = vector.shape_cast %get3A_360 : vector<1x16xf32> to vector<16xf32>
      %mul3A_362 = arith.constant 11.3137083 : f32
      %mul3A_363 = vector.broadcast %mul3A_362 : f32 to vector<16xf32>
      %mul3A_364 = arith.mulf %get3A_361, %mul3A_363 : vector<16xf32>
      %mul3A_365 = arith.mulf %get3A_357, %mul3A_364 : vector<16xf32>
      %swap3A_366 = arith.index_cast %scan3A_235 : i32 to index
      %swap3A_367 = arith.constant 112 : index
      %swap3A_368 = tpu.vector_load %arg9[%swap3A_366, %swap3A_367] {strides = array<i32>} : memref<128x128xf32, #tpu.memory_space<vmem>>, vector<1x16xf32>,
      %swap3A_369 = vector.shape_cast %swap3A_368 : vector<1x16xf32> to vector<16xf32>
      %swap3A_370 = vector.shape_cast %mul3A_365 : vector<16xf32> to vector<1x16xf32>
      tpu.vector_store %arg9[%swap3A_366, %swap3A_367], %swap3A_370 {strides = array<i32>} : memref<128x128xf32, #tpu.memory_space<vmem>>, vector<1x16xf32>,
      %scan3A_371 = arith.constant 0 : i32
      scf.yield %scan3A_371 : i32
    }
    %scan3A_119 = arith.constant 128 : i32
    %add3A_120 = arith.constant 256 : i32
    %add3A_121 = arith.addi %mul3A_2, %add3A_120 : i32
    %add3A_122 = arith.constant 0 : i32
    %add3A_123 = arith.addi %add3A_121, %add3A_122 : i32
    %dma_start3A_124 = arith.constant 0 : i32
    %dma_start3A_125 = arith.constant 0 : i32
    %dma_start3A_126 = tpu.memref_slice %arg9[%dma_start3A_124, %dma_start3A_125] : memref<128x128xf32, #tpu.memory_space<vmem>> -> memref<128x128xf32, #tpu.memory_space<vmem>>
    %dma_start3A_127 = arith.constant 0 : i32
    %dma_start3A_128 = tpu.memref_slice %arg5[%add3A_123, %dma_start3A_127] : memref<16384x128xf32, #tpu.memory_space<hbm>> -> memref<128x128xf32, #tpu.memory_space<hbm>>
    %dma_start3A_129 = arith.constant 0 : i32
    %dma_start3A_130 = tpu.memref_slice %arg5[%add3A_123, %dma_start3A_129] : memref<16384x128xf32, #tpu.memory_space<hbm>> -> memref<128x128xf32, #tpu.memory_space<hbm>>
    %dma_start3A_131 = arith.constant 0 : i32
    %dma_start3A_132 = arith.constant 0 : i32
    %dma_start3A_133 = tpu.memref_slice %arg9[%dma_start3A_131, %dma_start3A_132] : memref<128x128xf32, #tpu.memory_space<vmem>> -> memref<128x128xf32, #tpu.memory_space<vmem>>
    tpu.enqueue_dma source(%dma_start3A_133 : memref<128x128xf32, #tpu.memory_space<vmem>>) target(%dma_start3A_130 : memref<128x128xf32, #tpu.memory_space<hbm>>) target_semaphore(%arg21 : memref<!tpu.dma_semaphore, #tpu.memory_space<semaphore_mem>>)
    %dma_wait3A_134 = arith.constant 384 : i32
    %dma_wait3A_135 = tpu.memref_slice %arg6[%dma_wait3A_134] : memref<512xi32, #tpu.memory_space<vmem>> -> memref<128xi32, #tpu.memory_space<vmem>>
    %dma_wait3A_136 = arith.constant 0 : i32
    %dma_wait3A_137 = arith.constant 0 : i32
    %dma_wait3A_138 = tpu.memref_slice %arg4[%dma_wait3A_136, %dma_wait3A_137] : memref<100000x128xf32, #tpu.memory_space<hbm>> -> memref<100000x128xf32, #tpu.memory_space<hbm>>
    tpu.wait_indirect_dma semaphore(%arg16 : memref<!tpu.dma_semaphore, #tpu.memory_space<semaphore_mem>>) src(%dma_wait3A_138 : memref<100000x128xf32, #tpu.memory_space<hbm>>) dst(%arg10 : memref<128x128xf32, #tpu.memory_space<vmem>>)
    %dma_wait3A_139 = arith.constant 0 : i32
    %dma_wait3A_140 = tpu.memref_slice %arg2[%add3A_99, %dma_wait3A_139] : memref<16384x128xf32, #tpu.memory_space<hbm>> -> memref<128x128xf32, #tpu.memory_space<hbm>>
    %dma_wait3A_141 = arith.constant 0 : i32
    %dma_wait3A_142 = tpu.memref_slice %arg2[%add3A_99, %dma_wait3A_141] : memref<16384x128xf32, #tpu.memory_space<hbm>> -> memref<128x128xf32, #tpu.memory_space<hbm>>
    tpu.wait_dma2 semaphore(%arg18 : memref<!tpu.dma_semaphore, #tpu.memory_space<semaphore_mem>>) src(%dma_wait3A_142 : memref<128x128xf32, #tpu.memory_space<hbm>>) dst(%arg12 : memref<128x128xf32, #tpu.memory_space<vmem>>)
    %scan3A_143 = arith.constant 0 : i32
    %scan3A_144 = arith.constant 0 : i32
    %scan3A_145 = arith.constant 64 : i32
    %scan3A_146 = arith.addi %scan3A_144, %scan3A_145 : i32
    %scan3A_147 = arith.constant 1 : i32
    %scan3A_148 = scf.for %scan3A_235 = %scan3A_144 to %scan3A_146 step %scan3A_147 iter_args(%scan3A_236 = %scan3A_143) -> (i32)  : i32 {
      %get3A = arith.index_cast %scan3A_235 : i32 to index
      %get3A_237 = arith.constant 0 : index
      %get3A_238 = tpu.vector_load %arg10[%get3A, %get3A_237] {strides = array<i32>} : memref<128x128xf32, #tpu.memory_space<vmem>>, vector<1x16xf32>,
      %get3A_239 = vector.shape_cast %get3A_238 : vector<1x16xf32> to vector<16xf32>
      %get3A_240 = arith.index_cast %scan3A_235 : i32 to index
      %get3A_241 = arith.constant 0 : index
      %get3A_242 = tpu.vector_load %arg12[%get3A_240, %get3A_241] {strides = array<i32>} : memref<128x128xf32, #tpu.memory_space<vmem>>, vector<1x16xf32>,
      %get3A_243 = vector.shape_cast %get3A_242 : vector<1x16xf32> to vector<16xf32>
      %mul3A_244 = arith.constant 11.3137083 : f32
      %mul3A_245 = vector.broadcast %mul3A_244 : f32 to vector<16xf32>
      %mul3A_246 = arith.mulf %get3A_243, %mul3A_245 : vector<16xf32>
      %mul3A_247 = arith.mulf %get3A_239, %mul3A_246 : vector<16xf32>
      %swap3A = arith.index_cast %scan3A_235 : i32 to index
      %swap3A_248 = arith.constant 0 : index
      %swap3A_249 = tpu.vector_load %arg10[%swap3A, %swap3A_248] {strides = array<i32>} : memref<128x128xf32, #tpu.memory_space<vmem>>, vector<1x16xf32>,
      %swap3A_250 = vector.shape_cast %swap3A_249 : vector<1x16xf32> to vector<16xf32>
      %swap3A_251 = vector.shape_cast %mul3A_247 : vector<16xf32> to vector<1x16xf32>
      tpu.vector_store %arg10[%swap3A, %swap3A_248], %swap3A_251 {strides = array<i32>} : memref<128x128xf32, #tpu.memory_space<vmem>>, vector<1x16xf32>,
      %get3A_252 = arith.index_cast %scan3A_235 : i32 to index
      %get3A_253 = arith.constant 16 : index
      %get3A_254 = tpu.vector_load %arg10[%get3A_252, %get3A_253] {strides = array<i32>} : memref<128x128xf32, #tpu.memory_space<vmem>>, vector<1x16xf32>,
      %get3A_255 = vector.shape_cast %get3A_254 : vector<1x16xf32> to vector<16xf32>
      %get3A_256 = arith.index_cast %scan3A_235 : i32 to index
      %get3A_257 = arith.constant 16 : index
      %get3A_258 = tpu.vector_load %arg12[%get3A_256, %get3A_257] {strides = array<i32>} : memref<128x128xf32, #tpu.memory_space<vmem>>, vector<1x16xf32>,
      %get3A_259 = vector.shape_cast %get3A_258 : vector<1x16xf32> to vector<16xf32>
      %mul3A_260 = arith.constant 11.3137083 : f32
      %mul3A_261 = vector.broadcast %mul3A_260 : f32 to vector<16xf32>
      %mul3A_262 = arith.mulf %get3A_259, %mul3A_261 : vector<16xf32>
      %mul3A_263 = arith.mulf %get3A_255, %mul3A_262 : vector<16xf32>
      %swap3A_264 = arith.index_cast %scan3A_235 : i32 to index
      %swap3A_265 = arith.constant 16 : index
      %swap3A_266 = tpu.vector_load %arg10[%swap3A_264, %swap3A_265] {strides = array<i32>} : memref<128x128xf32, #tpu.memory_space<vmem>>, vector<1x16xf32>,
      %swap3A_267 = vector.shape_cast %swap3A_266 : vector<1x16xf32> to vector<16xf32>
      %swap3A_268 = vector.shape_cast %mul3A_263 : vector<16xf32> to vector<1x16xf32>
      tpu.vector_store %arg10[%swap3A_264, %swap3A_265], %swap3A_268 {strides = array<i32>} : memref<128x128xf32, #tpu.memory_space<vmem>>, vector<1x16xf32>,
      %get3A_269 = arith.index_cast %scan3A_235 : i32 to index
      %get3A_270 = arith.constant 32 : index
      %get3A_271 = tpu.vector_load %arg10[%get3A_269, %get3A_270] {strides = array<i32>} : memref<128x128xf32, #tpu.memory_space<vmem>>, vector<1x16xf32>,
      %get3A_272 = vector.shape_cast %get3A_271 : vector<1x16xf32> to vector<16xf32>
      %get3A_273 = arith.index_cast %scan3A_235 : i32 to index
      %get3A_274 = arith.constant 32 : index
      %get3A_275 = tpu.vector_load %arg12[%get3A_273, %get3A_274] {strides = array<i32>} : memref<128x128xf32, #tpu.memory_space<vmem>>, vector<1x16xf32>,
      %get3A_276 = vector.shape_cast %get3A_275 : vector<1x16xf32> to vector<16xf32>
      %mul3A_277 = arith.constant 11.3137083 : f32
      %mul3A_278 = vector.broadcast %mul3A_277 : f32 to vector<16xf32>
      %mul3A_279 = arith.mulf %get3A_276, %mul3A_278 : vector<16xf32>
      %mul3A_280 = arith.mulf %get3A_272, %mul3A_279 : vector<16xf32>
      %swap3A_281 = arith.index_cast %scan3A_235 : i32 to index
      %swap3A_282 = arith.constant 32 : index
      %swap3A_283 = tpu.vector_load %arg10[%swap3A_281, %swap3A_282] {strides = array<i32>} : memref<128x128xf32, #tpu.memory_space<vmem>>, vector<1x16xf32>,
      %swap3A_284 = vector.shape_cast %swap3A_283 : vector<1x16xf32> to vector<16xf32>
      %swap3A_285 = vector.shape_cast %mul3A_280 : vector<16xf32> to vector<1x16xf32>
      tpu.vector_store %arg10[%swap3A_281, %swap3A_282], %swap3A_285 {strides = array<i32>} : memref<128x128xf32, #tpu.memory_space<vmem>>, vector<1x16xf32>,
      %get3A_286 = arith.index_cast %scan3A_235 : i32 to index
      %get3A_287 = arith.constant 48 : index
      %get3A_288 = tpu.vector_load %arg10[%get3A_286, %get3A_287] {strides = array<i32>} : memref<128x128xf32, #tpu.memory_space<vmem>>, vector<1x16xf32>,
      %get3A_289 = vector.shape_cast %get3A_288 : vector<1x16xf32> to vector<16xf32>
      %get3A_290 = arith.index_cast %scan3A_235 : i32 to index
      %get3A_291 = arith.constant 48 : index
      %get3A_292 = tpu.vector_load %arg12[%get3A_290, %get3A_291] {strides = array<i32>} : memref<128x128xf32, #tpu.memory_space<vmem>>, vector<1x16xf32>,
      %get3A_293 = vector.shape_cast %get3A_292 : vector<1x16xf32> to vector<16xf32>
      %mul3A_294 = arith.constant 11.3137083 : f32
      %mul3A_295 = vector.broadcast %mul3A_294 : f32 to vector<16xf32>
      %mul3A_296 = arith.mulf %get3A_293, %mul3A_295 : vector<16xf32>
      %mul3A_297 = arith.mulf %get3A_289, %mul3A_296 : vector<16xf32>
      %swap3A_298 = arith.index_cast %scan3A_235 : i32 to index
      %swap3A_299 = arith.constant 48 : index
      %swap3A_300 = tpu.vector_load %arg10[%swap3A_298, %swap3A_299] {strides = array<i32>} : memref<128x128xf32, #tpu.memory_space<vmem>>, vector<1x16xf32>,
      %swap3A_301 = vector.shape_cast %swap3A_300 : vector<1x16xf32> to vector<16xf32>
      %swap3A_302 = vector.shape_cast %mul3A_297 : vector<16xf32> to vector<1x16xf32>
      tpu.vector_store %arg10[%swap3A_298, %swap3A_299], %swap3A_302 {strides = array<i32>} : memref<128x128xf32, #tpu.memory_space<vmem>>, vector<1x16xf32>,
      %get3A_303 = arith.index_cast %scan3A_235 : i32 to index
      %get3A_304 = arith.constant 64 : index
      %get3A_305 = tpu.vector_load %arg10[%get3A_303, %get3A_304] {strides = array<i32>} : memref<128x128xf32, #tpu.memory_space<vmem>>, vector<1x16xf32>,
      %get3A_306 = vector.shape_cast %get3A_305 : vector<1x16xf32> to vector<16xf32>
      %get3A_307 = arith.index_cast %scan3A_235 : i32 to index
      %get3A_308 = arith.constant 64 : index
      %get3A_309 = tpu.vector_load %arg12[%get3A_307, %get3A_308] {strides = array<i32>} : memref<128x128xf32, #tpu.memory_space<vmem>>, vector<1x16xf32>,
      %get3A_310 = vector.shape_cast %get3A_309 : vector<1x16xf32> to vector<16xf32>
      %mul3A_311 = arith.constant 11.3137083 : f32
      %mul3A_312 = vector.broadcast %mul3A_311 : f32 to vector<16xf32>
      %mul3A_313 = arith.mulf %get3A_310, %mul3A_312 : vector<16xf32>
      %mul3A_314 = arith.mulf %get3A_306, %mul3A_313 : vector<16xf32>
      %swap3A_315 = arith.index_cast %scan3A_235 : i32 to index
      %swap3A_316 = arith.constant 64 : index
      %swap3A_317 = tpu.vector_load %arg10[%swap3A_315, %swap3A_316] {strides = array<i32>} : memref<128x128xf32, #tpu.memory_space<vmem>>, vector<1x16xf32>,
      %swap3A_318 = vector.shape_cast %swap3A_317 : vector<1x16xf32> to vector<16xf32>
      %swap3A_319 = vector.shape_cast %mul3A_314 : vector<16xf32> to vector<1x16xf32>
      tpu.vector_store %arg10[%swap3A_315, %swap3A_316], %swap3A_319 {strides = array<i32>} : memref<128x128xf32, #tpu.memory_space<vmem>>, vector<1x16xf32>,
      %get3A_320 = arith.index_cast %scan3A_235 : i32 to index
      %get3A_321 = arith.constant 80 : index
      %get3A_322 = tpu.vector_load %arg10[%get3A_320, %get3A_321] {strides = array<i32>} : memref<128x128xf32, #tpu.memory_space<vmem>>, vector<1x16xf32>,
      %get3A_323 = vector.shape_cast %get3A_322 : vector<1x16xf32> to vector<16xf32>
      %get3A_324 = arith.index_cast %scan3A_235 : i32 to index
      %get3A_325 = arith.constant 80 : index
      %get3A_326 = tpu.vector_load %arg12[%get3A_324, %get3A_325] {strides = array<i32>} : memref<128x128xf32, #tpu.memory_space<vmem>>, vector<1x16xf32>,
      %get3A_327 = vector.shape_cast %get3A_326 : vector<1x16xf32> to vector<16xf32>
      %mul3A_328 = arith.constant 11.3137083 : f32
      %mul3A_329 = vector.broadcast %mul3A_328 : f32 to vector<16xf32>
      %mul3A_330 = arith.mulf %get3A_327, %mul3A_329 : vector<16xf32>
      %mul3A_331 = arith.mulf %get3A_323, %mul3A_330 : vector<16xf32>
      %swap3A_332 = arith.index_cast %scan3A_235 : i32 to index
      %swap3A_333 = arith.constant 80 : index
      %swap3A_334 = tpu.vector_load %arg10[%swap3A_332, %swap3A_333] {strides = array<i32>} : memref<128x128xf32, #tpu.memory_space<vmem>>, vector<1x16xf32>,
      %swap3A_335 = vector.shape_cast %swap3A_334 : vector<1x16xf32> to vector<16xf32>
      %swap3A_336 = vector.shape_cast %mul3A_331 : vector<16xf32> to vector<1x16xf32>
      tpu.vector_store %arg10[%swap3A_332, %swap3A_333], %swap3A_336 {strides = array<i32>} : memref<128x128xf32, #tpu.memory_space<vmem>>, vector<1x16xf32>,
      %get3A_337 = arith.index_cast %scan3A_235 : i32 to index
      %get3A_338 = arith.constant 96 : index
      %get3A_339 = tpu.vector_load %arg10[%get3A_337, %get3A_338] {strides = array<i32>} : memref<128x128xf32, #tpu.memory_space<vmem>>, vector<1x16xf32>,
      %get3A_340 = vector.shape_cast %get3A_339 : vector<1x16xf32> to vector<16xf32>
      %get3A_341 = arith.index_cast %scan3A_235 : i32 to index
      %get3A_342 = arith.constant 96 : index
      %get3A_343 = tpu.vector_load %arg12[%get3A_341, %get3A_342] {strides = array<i32>} : memref<128x128xf32, #tpu.memory_space<vmem>>, vector<1x16xf32>,
      %get3A_344 = vector.shape_cast %get3A_343 : vector<1x16xf32> to vector<16xf32>
      %mul3A_345 = arith.constant 11.3137083 : f32
      %mul3A_346 = vector.broadcast %mul3A_345 : f32 to vector<16xf32>
      %mul3A_347 = arith.mulf %get3A_344, %mul3A_346 : vector<16xf32>
      %mul3A_348 = arith.mulf %get3A_340, %mul3A_347 : vector<16xf32>
      %swap3A_349 = arith.index_cast %scan3A_235 : i32 to index
      %swap3A_350 = arith.constant 96 : index
      %swap3A_351 = tpu.vector_load %arg10[%swap3A_349, %swap3A_350] {strides = array<i32>} : memref<128x128xf32, #tpu.memory_space<vmem>>, vector<1x16xf32>,
      %swap3A_352 = vector.shape_cast %swap3A_351 : vector<1x16xf32> to vector<16xf32>
      %swap3A_353 = vector.shape_cast %mul3A_348 : vector<16xf32> to vector<1x16xf32>
      tpu.vector_store %arg10[%swap3A_349, %swap3A_350], %swap3A_353 {strides = array<i32>} : memref<128x128xf32, #tpu.memory_space<vmem>>, vector<1x16xf32>,
      %get3A_354 = arith.index_cast %scan3A_235 : i32 to index
      %get3A_355 = arith.constant 112 : index
      %get3A_356 = tpu.vector_load %arg10[%get3A_354, %get3A_355] {strides = array<i32>} : memref<128x128xf32, #tpu.memory_space<vmem>>, vector<1x16xf32>,
      %get3A_357 = vector.shape_cast %get3A_356 : vector<1x16xf32> to vector<16xf32>
      %get3A_358 = arith.index_cast %scan3A_235 : i32 to index
      %get3A_359 = arith.constant 112 : index
      %get3A_360 = tpu.vector_load %arg12[%get3A_358, %get3A_359] {strides = array<i32>} : memref<128x128xf32, #tpu.memory_space<vmem>>, vector<1x16xf32>,
      %get3A_361 = vector.shape_cast %get3A_360 : vector<1x16xf32> to vector<16xf32>
      %mul3A_362 = arith.constant 11.3137083 : f32
      %mul3A_363 = vector.broadcast %mul3A_362 : f32 to vector<16xf32>
      %mul3A_364 = arith.mulf %get3A_361, %mul3A_363 : vector<16xf32>
      %mul3A_365 = arith.mulf %get3A_357, %mul3A_364 : vector<16xf32>
      %swap3A_366 = arith.index_cast %scan3A_235 : i32 to index
      %swap3A_367 = arith.constant 112 : index
      %swap3A_368 = tpu.vector_load %arg10[%swap3A_366, %swap3A_367] {strides = array<i32>} : memref<128x128xf32, #tpu.memory_space<vmem>>, vector<1x16xf32>,
      %swap3A_369 = vector.shape_cast %swap3A_368 : vector<1x16xf32> to vector<16xf32>
      %swap3A_370 = vector.shape_cast %mul3A_365 : vector<16xf32> to vector<1x16xf32>
      tpu.vector_store %arg10[%swap3A_366, %swap3A_367], %swap3A_370 {strides = array<i32>} : memref<128x128xf32, #tpu.memory_space<vmem>>, vector<1x16xf32>,
      %scan3A_371 = arith.constant 0 : i32
      scf.yield %scan3A_371 : i32
    }
    %scan3A_149 = arith.constant 64 : i32
    %add3A_150 = arith.constant 384 : i32
    %add3A_151 = arith.addi %mul3A_2, %add3A_150 : i32
    %add3A_152 = arith.constant 0 : i32
    %add3A_153 = arith.addi %add3A_151, %add3A_152 : i32
    %dma_start3A_154 = arith.constant 0 : i32
    %dma_start3A_155 = arith.constant 0 : i32
    %dma_start3A_156 = tpu.memref_slice %arg10[%dma_start3A_154, %dma_start3A_155] : memref<128x128xf32, #tpu.memory_space<vmem>> -> memref<64x128xf32, #tpu.memory_space<vmem>>
    %dma_start3A_157 = arith.constant 0 : i32
    %dma_start3A_158 = tpu.memref_slice %arg5[%add3A_153, %dma_start3A_157] : memref<16384x128xf32, #tpu.memory_space<hbm>> -> memref<64x128xf32, #tpu.memory_space<hbm>>
    %dma_start3A_159 = arith.constant 0 : i32
    %dma_start3A_160 = tpu.memref_slice %arg5[%add3A_153, %dma_start3A_159] : memref<16384x128xf32, #tpu.memory_space<hbm>> -> memref<64x128xf32, #tpu.memory_space<hbm>>
    %dma_start3A_161 = arith.constant 0 : i32
    %dma_start3A_162 = arith.constant 0 : i32
    %dma_start3A_163 = tpu.memref_slice %arg10[%dma_start3A_161, %dma_start3A_162] : memref<128x128xf32, #tpu.memory_space<vmem>> -> memref<64x128xf32, #tpu.memory_space<vmem>>
    tpu.enqueue_dma source(%dma_start3A_163 : memref<64x128xf32, #tpu.memory_space<vmem>>) target(%dma_start3A_160 : memref<64x128xf32, #tpu.memory_space<hbm>>) target_semaphore(%arg22 : memref<!tpu.dma_semaphore, #tpu.memory_space<semaphore_mem>>)
    %scan3A_164 = arith.constant 0 : i32
    %scan3A_165 = arith.constant 64 : i32
    %scan3A_166 = arith.constant 64 : i32
    %scan3A_167 = arith.addi %scan3A_165, %scan3A_166 : i32
    %scan3A_168 = arith.constant 1 : i32
    %scan3A_169 = scf.for %scan3A_235 = %scan3A_165 to %scan3A_167 step %scan3A_168 iter_args(%scan3A_236 = %scan3A_164) -> (i32)  : i32 {
      %get3A = arith.index_cast %scan3A_235 : i32 to index
      %get3A_237 = arith.constant 0 : index
      %get3A_238 = tpu.vector_load %arg10[%get3A, %get3A_237] {strides = array<i32>} : memref<128x128xf32, #tpu.memory_space<vmem>>, vector<1x16xf32>,
      %get3A_239 = vector.shape_cast %get3A_238 : vector<1x16xf32> to vector<16xf32>
      %get3A_240 = arith.index_cast %scan3A_235 : i32 to index
      %get3A_241 = arith.constant 0 : index
      %get3A_242 = tpu.vector_load %arg12[%get3A_240, %get3A_241] {strides = array<i32>} : memref<128x128xf32, #tpu.memory_space<vmem>>, vector<1x16xf32>,
      %get3A_243 = vector.shape_cast %get3A_242 : vector<1x16xf32> to vector<16xf32>
      %mul3A_244 = arith.constant 11.3137083 : f32
      %mul3A_245 = vector.broadcast %mul3A_244 : f32 to vector<16xf32>
      %mul3A_246 = arith.mulf %get3A_243, %mul3A_245 : vector<16xf32>
      %mul3A_247 = arith.mulf %get3A_239, %mul3A_246 : vector<16xf32>
      %swap3A = arith.index_cast %scan3A_235 : i32 to index
      %swap3A_248 = arith.constant 0 : index
      %swap3A_249 = tpu.vector_load %arg10[%swap3A, %swap3A_248] {strides = array<i32>} : memref<128x128xf32, #tpu.memory_space<vmem>>, vector<1x16xf32>,
      %swap3A_250 = vector.shape_cast %swap3A_249 : vector<1x16xf32> to vector<16xf32>
      %swap3A_251 = vector.shape_cast %mul3A_247 : vector<16xf32> to vector<1x16xf32>
      tpu.vector_store %arg10[%swap3A, %swap3A_248], %swap3A_251 {strides = array<i32>} : memref<128x128xf32, #tpu.memory_space<vmem>>, vector<1x16xf32>,
      %get3A_252 = arith.index_cast %scan3A_235 : i32 to index
      %get3A_253 = arith.constant 16 : index
      %get3A_254 = tpu.vector_load %arg10[%get3A_252, %get3A_253] {strides = array<i32>} : memref<128x128xf32, #tpu.memory_space<vmem>>, vector<1x16xf32>,
      %get3A_255 = vector.shape_cast %get3A_254 : vector<1x16xf32> to vector<16xf32>
      %get3A_256 = arith.index_cast %scan3A_235 : i32 to index
      %get3A_257 = arith.constant 16 : index
      %get3A_258 = tpu.vector_load %arg12[%get3A_256, %get3A_257] {strides = array<i32>} : memref<128x128xf32, #tpu.memory_space<vmem>>, vector<1x16xf32>,
      %get3A_259 = vector.shape_cast %get3A_258 : vector<1x16xf32> to vector<16xf32>
      %mul3A_260 = arith.constant 11.3137083 : f32
      %mul3A_261 = vector.broadcast %mul3A_260 : f32 to vector<16xf32>
      %mul3A_262 = arith.mulf %get3A_259, %mul3A_261 : vector<16xf32>
      %mul3A_263 = arith.mulf %get3A_255, %mul3A_262 : vector<16xf32>
      %swap3A_264 = arith.index_cast %scan3A_235 : i32 to index
      %swap3A_265 = arith.constant 16 : index
      %swap3A_266 = tpu.vector_load %arg10[%swap3A_264, %swap3A_265] {strides = array<i32>} : memref<128x128xf32, #tpu.memory_space<vmem>>, vector<1x16xf32>,
      %swap3A_267 = vector.shape_cast %swap3A_266 : vector<1x16xf32> to vector<16xf32>
      %swap3A_268 = vector.shape_cast %mul3A_263 : vector<16xf32> to vector<1x16xf32>
      tpu.vector_store %arg10[%swap3A_264, %swap3A_265], %swap3A_268 {strides = array<i32>} : memref<128x128xf32, #tpu.memory_space<vmem>>, vector<1x16xf32>,
      %get3A_269 = arith.index_cast %scan3A_235 : i32 to index
      %get3A_270 = arith.constant 32 : index
      %get3A_271 = tpu.vector_load %arg10[%get3A_269, %get3A_270] {strides = array<i32>} : memref<128x128xf32, #tpu.memory_space<vmem>>, vector<1x16xf32>,
      %get3A_272 = vector.shape_cast %get3A_271 : vector<1x16xf32> to vector<16xf32>
      %get3A_273 = arith.index_cast %scan3A_235 : i32 to index
      %get3A_274 = arith.constant 32 : index
      %get3A_275 = tpu.vector_load %arg12[%get3A_273, %get3A_274] {strides = array<i32>} : memref<128x128xf32, #tpu.memory_space<vmem>>, vector<1x16xf32>,
      %get3A_276 = vector.shape_cast %get3A_275 : vector<1x16xf32> to vector<16xf32>
      %mul3A_277 = arith.constant 11.3137083 : f32
      %mul3A_278 = vector.broadcast %mul3A_277 : f32 to vector<16xf32>
      %mul3A_279 = arith.mulf %get3A_276, %mul3A_278 : vector<16xf32>
      %mul3A_280 = arith.mulf %get3A_272, %mul3A_279 : vector<16xf32>
      %swap3A_281 = arith.index_cast %scan3A_235 : i32 to index
      %swap3A_282 = arith.constant 32 : index
      %swap3A_283 = tpu.vector_load %arg10[%swap3A_281, %swap3A_282] {strides = array<i32>} : memref<128x128xf32, #tpu.memory_space<vmem>>, vector<1x16xf32>,
      %swap3A_284 = vector.shape_cast %swap3A_283 : vector<1x16xf32> to vector<16xf32>
      %swap3A_285 = vector.shape_cast %mul3A_280 : vector<16xf32> to vector<1x16xf32>
      tpu.vector_store %arg10[%swap3A_281, %swap3A_282], %swap3A_285 {strides = array<i32>} : memref<128x128xf32, #tpu.memory_space<vmem>>, vector<1x16xf32>,
      %get3A_286 = arith.index_cast %scan3A_235 : i32 to index
      %get3A_287 = arith.constant 48 : index
      %get3A_288 = tpu.vector_load %arg10[%get3A_286, %get3A_287] {strides = array<i32>} : memref<128x128xf32, #tpu.memory_space<vmem>>, vector<1x16xf32>,
      %get3A_289 = vector.shape_cast %get3A_288 : vector<1x16xf32> to vector<16xf32>
      %get3A_290 = arith.index_cast %scan3A_235 : i32 to index
      %get3A_291 = arith.constant 48 : index
      %get3A_292 = tpu.vector_load %arg12[%get3A_290, %get3A_291] {strides = array<i32>} : memref<128x128xf32, #tpu.memory_space<vmem>>, vector<1x16xf32>,
      %get3A_293 = vector.shape_cast %get3A_292 : vector<1x16xf32> to vector<16xf32>
      %mul3A_294 = arith.constant 11.3137083 : f32
      %mul3A_295 = vector.broadcast %mul3A_294 : f32 to vector<16xf32>
      %mul3A_296 = arith.mulf %get3A_293, %mul3A_295 : vector<16xf32>
      %mul3A_297 = arith.mulf %get3A_289, %mul3A_296 : vector<16xf32>
      %swap3A_298 = arith.index_cast %scan3A_235 : i32 to index
      %swap3A_299 = arith.constant 48 : index
      %swap3A_300 = tpu.vector_load %arg10[%swap3A_298, %swap3A_299] {strides = array<i32>} : memref<128x128xf32, #tpu.memory_space<vmem>>, vector<1x16xf32>,
      %swap3A_301 = vector.shape_cast %swap3A_300 : vector<1x16xf32> to vector<16xf32>
      %swap3A_302 = vector.shape_cast %mul3A_297 : vector<16xf32> to vector<1x16xf32>
      tpu.vector_store %arg10[%swap3A_298, %swap3A_299], %swap3A_302 {strides = array<i32>} : memref<128x128xf32, #tpu.memory_space<vmem>>, vector<1x16xf32>,
      %get3A_303 = arith.index_cast %scan3A_235 : i32 to index
      %get3A_304 = arith.constant 64 : index
      %get3A_305 = tpu.vector_load %arg10[%get3A_303, %get3A_304] {strides = array<i32>} : memref<128x128xf32, #tpu.memory_space<vmem>>, vector<1x16xf32>,
      %get3A_306 = vector.shape_cast %get3A_305 : vector<1x16xf32> to vector<16xf32>
      %get3A_307 = arith.index_cast %scan3A_235 : i32 to index
      %get3A_308 = arith.constant 64 : index
      %get3A_309 = tpu.vector_load %arg12[%get3A_307, %get3A_308] {strides = array<i32>} : memref<128x128xf32, #tpu.memory_space<vmem>>, vector<1x16xf32>,
      %get3A_310 = vector.shape_cast %get3A_309 : vector<1x16xf32> to vector<16xf32>
      %mul3A_311 = arith.constant 11.3137083 : f32
      %mul3A_312 = vector.broadcast %mul3A_311 : f32 to vector<16xf32>
      %mul3A_313 = arith.mulf %get3A_310, %mul3A_312 : vector<16xf32>
      %mul3A_314 = arith.mulf %get3A_306, %mul3A_313 : vector<16xf32>
      %swap3A_315 = arith.index_cast %scan3A_235 : i32 to index
      %swap3A_316 = arith.constant 64 : index
      %swap3A_317 = tpu.vector_load %arg10[%swap3A_315, %swap3A_316] {strides = array<i32>} : memref<128x128xf32, #tpu.memory_space<vmem>>, vector<1x16xf32>,
      %swap3A_318 = vector.shape_cast %swap3A_317 : vector<1x16xf32> to vector<16xf32>
      %swap3A_319 = vector.shape_cast %mul3A_314 : vector<16xf32> to vector<1x16xf32>
      tpu.vector_store %arg10[%swap3A_315, %swap3A_316], %swap3A_319 {strides = array<i32>} : memref<128x128xf32, #tpu.memory_space<vmem>>, vector<1x16xf32>,
      %get3A_320 = arith.index_cast %scan3A_235 : i32 to index
      %get3A_321 = arith.constant 80 : index
      %get3A_322 = tpu.vector_load %arg10[%get3A_320, %get3A_321] {strides = array<i32>} : memref<128x128xf32, #tpu.memory_space<vmem>>, vector<1x16xf32>,
      %get3A_323 = vector.shape_cast %get3A_322 : vector<1x16xf32> to vector<16xf32>
      %get3A_324 = arith.index_cast %scan3A_235 : i32 to index
      %get3A_325 = arith.constant 80 : index
      %get3A_326 = tpu.vector_load %arg12[%get3A_324, %get3A_325] {strides = array<i32>} : memref<128x128xf32, #tpu.memory_space<vmem>>, vector<1x16xf32>,
      %get3A_327 = vector.shape_cast %get3A_326 : vector<1x16xf32> to vector<16xf32>
      %mul3A_328 = arith.constant 11.3137083 : f32
      %mul3A_329 = vector.broadcast %mul3A_328 : f32 to vector<16xf32>
      %mul3A_330 = arith.mulf %get3A_327, %mul3A_329 : vector<16xf32>
      %mul3A_331 = arith.mulf %get3A_323, %mul3A_330 : vector<16xf32>
      %swap3A_332 = arith.index_cast %scan3A_235 : i32 to index
      %swap3A_333 = arith.constant 80 : index
      %swap3A_334 = tpu.vector_load %arg10[%swap3A_332, %swap3A_333] {strides = array<i32>} : memref<128x128xf32, #tpu.memory_space<vmem>>, vector<1x16xf32>,
      %swap3A_335 = vector.shape_cast %swap3A_334 : vector<1x16xf32> to vector<16xf32>
      %swap3A_336 = vector.shape_cast %mul3A_331 : vector<16xf32> to vector<1x16xf32>
      tpu.vector_store %arg10[%swap3A_332, %swap3A_333], %swap3A_336 {strides = array<i32>} : memref<128x128xf32, #tpu.memory_space<vmem>>, vector<1x16xf32>,
      %get3A_337 = arith.index_cast %scan3A_235 : i32 to index
      %get3A_338 = arith.constant 96 : index
      %get3A_339 = tpu.vector_load %arg10[%get3A_337, %get3A_338] {strides = array<i32>} : memref<128x128xf32, #tpu.memory_space<vmem>>, vector<1x16xf32>,
      %get3A_340 = vector.shape_cast %get3A_339 : vector<1x16xf32> to vector<16xf32>
      %get3A_341 = arith.index_cast %scan3A_235 : i32 to index
      %get3A_342 = arith.constant 96 : index
      %get3A_343 = tpu.vector_load %arg12[%get3A_341, %get3A_342] {strides = array<i32>} : memref<128x128xf32, #tpu.memory_space<vmem>>, vector<1x16xf32>,
      %get3A_344 = vector.shape_cast %get3A_343 : vector<1x16xf32> to vector<16xf32>
      %mul3A_345 = arith.constant 11.3137083 : f32
      %mul3A_346 = vector.broadcast %mul3A_345 : f32 to vector<16xf32>
      %mul3A_347 = arith.mulf %get3A_344, %mul3A_346 : vector<16xf32>
      %mul3A_348 = arith.mulf %get3A_340, %mul3A_347 : vector<16xf32>
      %swap3A_349 = arith.index_cast %scan3A_235 : i32 to index
      %swap3A_350 = arith.constant 96 : index
      %swap3A_351 = tpu.vector_load %arg10[%swap3A_349, %swap3A_350] {strides = array<i32>} : memref<128x128xf32, #tpu.memory_space<vmem>>, vector<1x16xf32>,
      %swap3A_352 = vector.shape_cast %swap3A_351 : vector<1x16xf32> to vector<16xf32>
      %swap3A_353 = vector.shape_cast %mul3A_348 : vector<16xf32> to vector<1x16xf32>
      tpu.vector_store %arg10[%swap3A_349, %swap3A_350], %swap3A_353 {strides = array<i32>} : memref<128x128xf32, #tpu.memory_space<vmem>>, vector<1x16xf32>,
      %get3A_354 = arith.index_cast %scan3A_235 : i32 to index
      %get3A_355 = arith.constant 112 : index
      %get3A_356 = tpu.vector_load %arg10[%get3A_354, %get3A_355] {strides = array<i32>} : memref<128x128xf32, #tpu.memory_space<vmem>>, vector<1x16xf32>,
      %get3A_357 = vector.shape_cast %get3A_356 : vector<1x16xf32> to vector<16xf32>
      %get3A_358 = arith.index_cast %scan3A_235 : i32 to index
      %get3A_359 = arith.constant 112 : index
      %get3A_360 = tpu.vector_load %arg12[%get3A_358, %get3A_359] {strides = array<i32>} : memref<128x128xf32, #tpu.memory_space<vmem>>, vector<1x16xf32>,
      %get3A_361 = vector.shape_cast %get3A_360 : vector<1x16xf32> to vector<16xf32>
      %mul3A_362 = arith.constant 11.3137083 : f32
      %mul3A_363 = vector.broadcast %mul3A_362 : f32 to vector<16xf32>
      %mul3A_364 = arith.mulf %get3A_361, %mul3A_363 : vector<16xf32>
      %mul3A_365 = arith.mulf %get3A_357, %mul3A_364 : vector<16xf32>
      %swap3A_366 = arith.index_cast %scan3A_235 : i32 to index
      %swap3A_367 = arith.constant 112 : index
      %swap3A_368 = tpu.vector_load %arg10[%swap3A_366, %swap3A_367] {strides = array<i32>} : memref<128x128xf32, #tpu.memory_space<vmem>>, vector<1x16xf32>,
      %swap3A_369 = vector.shape_cast %swap3A_368 : vector<1x16xf32> to vector<16xf32>
      %swap3A_370 = vector.shape_cast %mul3A_365 : vector<16xf32> to vector<1x16xf32>
      tpu.vector_store %arg10[%swap3A_366, %swap3A_367], %swap3A_370 {strides = array<i32>} : memref<128x128xf32, #tpu.memory_space<vmem>>, vector<1x16xf32>,
      %scan3A_371 = arith.constant 0 : i32
      scf.yield %scan3A_371 : i32
    }
    %scan3A_170 = arith.constant 64 : i32
    %add3A_171 = arith.constant 384 : i32
    %add3A_172 = arith.addi %mul3A_2, %add3A_171 : i32
    %add3A_173 = arith.constant 64 : i32
    %add3A_174 = arith.addi %add3A_172, %add3A_173 : i32
    %dma_start3A_175 = arith.constant 64 : i32
    %dma_start3A_176 = arith.constant 0 : i32
    %dma_start3A_177 = tpu.memref_slice %arg10[%dma_start3A_175, %dma_start3A_176] : memref<128x128xf32, #tpu.memory_space<vmem>> -> memref<64x128xf32, #tpu.memory_space<vmem>>
    %dma_start3A_178 = arith.constant 0 : i32
    %dma_start3A_179 = tpu.memref_slice %arg5[%add3A_174, %dma_start3A_178] : memref<16384x128xf32, #tpu.memory_space<hbm>> -> memref<64x128xf32, #tpu.memory_space<hbm>>
    %dma_start3A_180 = arith.constant 0 : i32
    %dma_start3A_181 = tpu.memref_slice %arg5[%add3A_174, %dma_start3A_180] : memref<16384x128xf32, #tpu.memory_space<hbm>> -> memref<64x128xf32, #tpu.memory_space<hbm>>
    %dma_start3A_182 = arith.constant 64 : i32
    %dma_start3A_183 = arith.constant 0 : i32
    %dma_start3A_184 = tpu.memref_slice %arg10[%dma_start3A_182, %dma_start3A_183] : memref<128x128xf32, #tpu.memory_space<vmem>> -> memref<64x128xf32, #tpu.memory_space<vmem>>
    tpu.enqueue_dma source(%dma_start3A_184 : memref<64x128xf32, #tpu.memory_space<vmem>>) target(%dma_start3A_181 : memref<64x128xf32, #tpu.memory_space<hbm>>) target_semaphore(%arg23 : memref<!tpu.dma_semaphore, #tpu.memory_space<semaphore_mem>>)
    %dma_wait3A_185 = arith.constant 0 : i32
    %dma_wait3A_186 = arith.constant 0 : i32
    %dma_wait3A_187 = tpu.memref_slice %arg7[%dma_wait3A_185, %dma_wait3A_186] : memref<128x128xf32, #tpu.memory_space<vmem>> -> memref<128x128xf32, #tpu.memory_space<vmem>>
    %dma_wait3A_188 = arith.constant 0 : i32
    %dma_wait3A_189 = tpu.memref_slice %arg5[%add3A_51, %dma_wait3A_188] : memref<16384x128xf32, #tpu.memory_space<hbm>> -> memref<128x128xf32, #tpu.memory_space<hbm>>
    %dma_wait3A_190 = arith.constant 0 : i32
    %dma_wait3A_191 = tpu.memref_slice %arg5[%add3A_51, %dma_wait3A_190] : memref<16384x128xf32, #tpu.memory_space<hbm>> -> memref<128x128xf32, #tpu.memory_space<hbm>>
    %dma_wait3A_192 = arith.constant 0 : i32
    %dma_wait3A_193 = arith.constant 0 : i32
    %dma_wait3A_194 = tpu.memref_slice %arg7[%dma_wait3A_192, %dma_wait3A_193] : memref<128x128xf32, #tpu.memory_space<vmem>> -> memref<128x128xf32, #tpu.memory_space<vmem>>
    tpu.wait_dma2 semaphore(%arg19 : memref<!tpu.dma_semaphore, #tpu.memory_space<semaphore_mem>>) src(%dma_wait3A_194 : memref<128x128xf32, #tpu.memory_space<vmem>>) dst(%dma_wait3A_191 : memref<128x128xf32, #tpu.memory_space<hbm>>)
    %dma_wait3A_195 = arith.constant 0 : i32
    %dma_wait3A_196 = arith.constant 0 : i32
    %dma_wait3A_197 = tpu.memref_slice %arg8[%dma_wait3A_195, %dma_wait3A_196] : memref<128x128xf32, #tpu.memory_space<vmem>> -> memref<128x128xf32, #tpu.memory_space<vmem>>
    %dma_wait3A_198 = arith.constant 0 : i32
    %dma_wait3A_199 = tpu.memref_slice %arg5[%add3A_87, %dma_wait3A_198] : memref<16384x128xf32, #tpu.memory_space<hbm>> -> memref<128x128xf32, #tpu.memory_space<hbm>>
    %dma_wait3A_200 = arith.constant 0 : i32
    %dma_wait3A_201 = tpu.memref_slice %arg5[%add3A_87, %dma_wait3A_200] : memref<16384x128xf32, #tpu.memory_space<hbm>> -> memref<128x128xf32, #tpu.memory_space<hbm>>
    %dma_wait3A_202 = arith.constant 0 : i32
    %dma_wait3A_203 = arith.constant 0 : i32
    %dma_wait3A_204 = tpu.memref_slice %arg8[%dma_wait3A_202, %dma_wait3A_203] : memref<128x128xf32, #tpu.memory_space<vmem>> -> memref<128x128xf32, #tpu.memory_space<vmem>>
    tpu.wait_dma2 semaphore(%arg20 : memref<!tpu.dma_semaphore, #tpu.memory_space<semaphore_mem>>) src(%dma_wait3A_204 : memref<128x128xf32, #tpu.memory_space<vmem>>) dst(%dma_wait3A_201 : memref<128x128xf32, #tpu.memory_space<hbm>>)
    %dma_wait3A_205 = arith.constant 0 : i32
    %dma_wait3A_206 = arith.constant 0 : i32
    %dma_wait3A_207 = tpu.memref_slice %arg9[%dma_wait3A_205, %dma_wait3A_206] : memref<128x128xf32, #tpu.memory_space<vmem>> -> memref<128x128xf32, #tpu.memory_space<vmem>>
    %dma_wait3A_208 = arith.constant 0 : i32
    %dma_wait3A_209 = tpu.memref_slice %arg5[%add3A_123, %dma_wait3A_208] : memref<16384x128xf32, #tpu.memory_space<hbm>> -> memref<128x128xf32, #tpu.memory_space<hbm>>
    %dma_wait3A_210 = arith.constant 0 : i32
    %dma_wait3A_211 = tpu.memref_slice %arg5[%add3A_123, %dma_wait3A_210] : memref<16384x128xf32, #tpu.memory_space<hbm>> -> memref<128x128xf32, #tpu.memory_space<hbm>>
    %dma_wait3A_212 = arith.constant 0 : i32
    %dma_wait3A_213 = arith.constant 0 : i32
    %dma_wait3A_214 = tpu.memref_slice %arg9[%dma_wait3A_212, %dma_wait3A_213] : memref<128x128xf32, #tpu.memory_space<vmem>> -> memref<128x128xf32, #tpu.memory_space<vmem>>
    tpu.wait_dma2 semaphore(%arg21 : memref<!tpu.dma_semaphore, #tpu.memory_space<semaphore_mem>>) src(%dma_wait3A_214 : memref<128x128xf32, #tpu.memory_space<vmem>>) dst(%dma_wait3A_211 : memref<128x128xf32, #tpu.memory_space<hbm>>)
    %dma_wait3A_215 = arith.constant 0 : i32
    %dma_wait3A_216 = arith.constant 0 : i32
    %dma_wait3A_217 = tpu.memref_slice %arg10[%dma_wait3A_215, %dma_wait3A_216] : memref<128x128xf32, #tpu.memory_space<vmem>> -> memref<64x128xf32, #tpu.memory_space<vmem>>
    %dma_wait3A_218 = arith.constant 0 : i32
    %dma_wait3A_219 = tpu.memref_slice %arg5[%add3A_153, %dma_wait3A_218] : memref<16384x128xf32, #tpu.memory_space<hbm>> -> memref<64x128xf32, #tpu.memory_space<hbm>>
    %dma_wait3A_220 = arith.constant 0 : i32
    %dma_wait3A_221 = tpu.memref_slice %arg5[%add3A_153, %dma_wait3A_220] : memref<16384x128xf32, #tpu.memory_space<hbm>> -> memref<64x128xf32, #tpu.memory_space<hbm>>
    %dma_wait3A_222 = arith.constant 0 : i32
    %dma_wait3A_223 = arith.constant 0 : i32
    %dma_wait3A_224 = tpu.memref_slice %arg10[%dma_wait3A_222, %dma_wait3A_223] : memref<128x128xf32, #tpu.memory_space<vmem>> -> memref<64x128xf32, #tpu.memory_space<vmem>>
    tpu.wait_dma2 semaphore(%arg22 : memref<!tpu.dma_semaphore, #tpu.memory_space<semaphore_mem>>) src(%dma_wait3A_224 : memref<64x128xf32, #tpu.memory_space<vmem>>) dst(%dma_wait3A_221 : memref<64x128xf32, #tpu.memory_space<hbm>>)
    %dma_wait3A_225 = arith.constant 64 : i32
    %dma_wait3A_226 = arith.constant 0 : i32
    %dma_wait3A_227 = tpu.memref_slice %arg10[%dma_wait3A_225, %dma_wait3A_226] : memref<128x128xf32, #tpu.memory_space<vmem>> -> memref<64x128xf32, #tpu.memory_space<vmem>>
    %dma_wait3A_228 = arith.constant 0 : i32
    %dma_wait3A_229 = tpu.memref_slice %arg5[%add3A_174, %dma_wait3A_228] : memref<16384x128xf32, #tpu.memory_space<hbm>> -> memref<64x128xf32, #tpu.memory_space<hbm>>
    %dma_wait3A_230 = arith.constant 0 : i32
    %dma_wait3A_231 = tpu.memref_slice %arg5[%add3A_174, %dma_wait3A_230] : memref<16384x128xf32, #tpu.memory_space<hbm>> -> memref<64x128xf32, #tpu.memory_space<hbm>>
    %dma_wait3A_232 = arith.constant 64 : i32
    %dma_wait3A_233 = arith.constant 0 : i32
    %dma_wait3A_234 = tpu.memref_slice %arg10[%dma_wait3A_232, %dma_wait3A_233] : memref<128x128xf32, #tpu.memory_space<vmem>> -> memref<64x128xf32, #tpu.memory_space<vmem>>
    tpu.wait_dma2 semaphore(%arg23 : memref<!tpu.dma_semaphore, #tpu.memory_space<semaphore_mem>>) src(%dma_wait3A_234 : memref<64x128xf32, #tpu.memory_space<vmem>>) dst(%dma_wait3A_231 : memref<64x128xf32, #tpu.memory_space<hbm>>)
    return
  }
}

</mosaic_0001>

<sc_bundles>
// kernel: kernel.3.cloned.1.call-start
scs
__scs_entry_jumppad:
0x0: {  	(pc) =	sbr.rel $0x88, $3  }
0x1: {  	(tag) =	ssettag $0x0;
	lr =	simm.s32 $0x1  }
0x2: {  	[smem:$0x3F9E] =	sst lr;
	_ =	strace $0xD0000000  }
0x3: {  	_ = 	snop  }
0x4: {  	_ = 	snop  }
0x5: {  	_ = 	snop  }
0x6: {  	_ = 	snop  }
0x7: {  	_ = 	snop  }
__scs_overlays_trampoline_lowered:
0x8: {  	[smem:$0x3FAD] =	sst s0  }
0x9: {  	[smem:$0x3FAE] =	sst s1  }
0xa: {  	[smem:$0x3FAF] =	sst s2  }
0xb: {  	[smem:$0x3FB0] =	sst s3  }
0xc: {  	[smem:$0x3FB1] =	sst s4  }
0xd: {  	[smem:$0x3FB2] =	sst s5  }
0xe: {  	[smem:$0x3FB3] =	sst s6  }
0xf: {  	[smem:$0x3FB4] =	sst s7  }
0x10: {  	[smem:$0x3FB5] =	sst s8  }
0x11: {  	[smem:$0x3FB6] =	sst s9;
	s0 =	simm.s32 @!p0 $0x0  }
0x12: {  	s1 =	sld [smem:$0x3F9C];
	s0 =	simm.s32 @p0 $0x1  }
0x13: {  	[smem:$0x3FB7] =	sst s0;
	s0 =	simm.s32 @!p1 $0x0  }
0x14: {  	s2 =	sld [smem:$0x3F9B];
	s0 =	simm.s32 @p1 $0x1  }
0x15: {  	[smem:$0x3FB8] =	sst s0;
	s0 =	simm.s32 @!p2 $0x0  }
0x16: {  	s3 =	sld [smem:$0x3FDB];
	s0 =	simm.s32 @p2 $0x1  }
0x17: {  	s4 =	simm.s32 $0x1BF5;
	[smem:$0x3FBA] =	sst s0  }
0x18: {  	s0 =	sld [smem:$0x3F9D];
	_ =	swait.ge [sflag:s4], $0x0  }
0x19: {  	s7 =	sld [smem:$0x3F9E]  }
0x1a: {  	s8 =	sadd.s32 $0xFFFFE003, lr  }
0x1b: {  	s9 =	sadd.s32 $0xFFFFFEF7, lr;
	s5 =	simm.s32 $0xFFFFFFFF;
	p2 =	slt.u32 s8, $0xFFFFF086  }
0x1c: {  	p1 =	slt.u32 s9, $0xF7A;
	s5 =	simm.s32 @!p2 $0x0  }
0x1d: {  	s5 =	simm.s32 @p1 $0x1;
	p0 =	seq.s32 s7, s2  }
0x1e: {  	s7 =	smul.u32 @!p0 $0xF7A, s2;
	p2 =	seq.s32 @!p0 s5, $0x0  }
0x1f: {  	s9 =	smul.u32 $0xF7A, s1;
	s8 =	simm.s32 @!p0 $0x1BF5;
	p2 =	por !p2, p0  }
0x20: {  	[sflag:s8] =	ssyncset.s32 @!p0 $0xFFFFF086;
	s6 =	sadd.s32 @!p0 s3, s7;
	s7 =	simm.s32 @!p0 $0x108  }
0x21: {  	s3 =	sadd.s32 s3, s9;
	s6 =	sadd.s32 @!p0 $0x88, s6;
	s7 =	simm.s32 @p2 $0x1082  }
0x22: {  	[simem:s7], [sflag:s8] =	dma.local @!p0 [hbm:s6], $0xF7A  }
0x23: {  	s9 =	sor.u32 $0xD0000000, s2;
	s6 =	simm.s32 $0x108;
	_ =	swait.ge @!p0 [sflag:s8], $0x0  }
0x24: {  	s3 =	sadd.s32 $0x88, s3;
	s6 =	simm.s32 @!p1 $0x1082;
	[sflag:s4] =	ssyncset.s32 $0xFFFFF086  }
0x25: {  	[simem:s6], [sflag:s4] =	dma.local [hbm:s3], $0xF7A  }
0x26: {  	[smem:$0x3F9E] =	sst s1;
	(tag) =	ssettag s2;
	_ =	strace s9  }
0x27: {  	s1 =	sld [smem:$0x3FAE]  }
0x28: {  	s2 =	sld [smem:$0x3FAF]  }
0x29: {  	s4 =	sld [smem:$0x3FB1]  }
0x2a: {  	p0 =	seq.s32 s5, $0x0;
	s5 =	sld [smem:$0x3FB2]  }
0x2b: {  	s6 =	sld [smem:$0x3FB3]  }
0x2c: {  	s7 =	sld [smem:$0x3FB4]  }
0x2d: {  	s3 =	simm.s32 $0x108;
	s8 =	sld [smem:$0x3FB5]  }
0x2e: {  	s3 =	simm.s32 @!p0 $0x1082;
	s9 =	sld [smem:$0x3FB6]  }
0x2f: {  	lr =	sadd.s32 s0, s3;
	s0 =	sld [smem:$0x3FAD]  }
0x30: {  	s3 =	sld [smem:$0x3FB0]  }
0x31: {  	[smem:$0x3FB9] =	sst s10  }
0x32: {  	s10 =	sld [smem:$0x3FB7];
	_ =	sdelay $0x3  }
0x33: {  	p0 =	seq.s32 s10, $0x1;
	s10 =	sld [smem:$0x3FB9];
	_ =	sdelay $0x3  }
0x34: {  	[smem:$0x3FB9] =	sst s10  }
0x35: {  	s10 =	sld [smem:$0x3FB8];
	_ =	sdelay $0x3  }
0x36: {  	p1 =	seq.s32 s10, $0x1;
	s10 =	sld [smem:$0x3FB9];
	_ =	sdelay $0x3  }
0x37: {  	[smem:$0x3FB9] =	sst s10  }
0x38: {  	s10 =	sld [smem:$0x3FBA]  }
0x39: {  	_ = 	snop;
	(pc) =	sbr.ind lr, $3  }
0x3a: {  	_ = 	snop  }
0x3b: {  	_ = 	snop  }
0x3c: {  	p2 =	seq.s32 s10, $0x1;
	s10 =	sld [smem:$0x3FB9]  }
0x3d: {  	_ =	shalt  }
0x3e: {  	_ =	shalt  }
0x3f: {  	_ =	shalt  }
0x40: {  	_ =	shalt  }
0x41: {  	_ =	shalt  }
0x42: {  	_ =	shalt  }
0x43: {  	_ =	shalt  }
0x44: {  	_ =	shalt  }
0x45: {  	_ =	shalt  }
0x46: {  	_ =	shalt  }
0x47: {  	_ =	shalt  }
0x48: {  	_ =	shalt  }
0x49: {  	_ =	shalt  }
0x4a: {  	_ =	shalt  }
0x4b: {  	_ =	shalt  }
0x4c: {  	_ =	shalt  }
0x4d: {  	_ =	shalt  }
0x4e: {  	_ =	shalt  }
0x4f: {  	_ =	shalt  }
0x50: {  	_ =	shalt  }
0x51: {  	_ =	shalt  }
0x52: {  	_ =	shalt  }
0x53: {  	_ =	shalt  }
0x54: {  	_ =	shalt  }
0x55: {  	_ =	shalt  }
0x56: {  	_ =	shalt  }
0x57: {  	_ =	shalt  }
0x58: {  	_ =	shalt  }
0x59: {  	_ =	shalt  }
0x5a: {  	_ =	shalt  }
0x5b: {  	_ =	shalt  }
0x5c: {  	_ =	shalt  }
0x5d: {  	_ =	shalt  }
0x5e: {  	_ =	shalt  }
0x5f: {  	_ =	shalt  }
0x60: {  	_ =	shalt  }
0x61: {  	_ =	shalt  }
0x62: {  	_ =	shalt  }
0x63: {  	_ =	shalt  }
0x64: {  	_ =	shalt  }
0x65: {  	_ =	shalt  }
0x66: {  	_ =	shalt  }
0x67: {  	_ =	shalt  }
0x68: {  	_ =	shalt  }
0x69: {  	_ =	shalt  }
0x6a: {  	_ =	shalt  }
0x6b: {  	_ =	shalt  }
0x6c: {  	_ =	shalt  }
0x6d: {  	_ =	shalt  }
0x6e: {  	_ =	shalt  }
0x6f: {  	_ =	shalt  }
0x70: {  	_ =	shalt  }
0x71: {  	_ =	shalt  }
0x72: {  	_ =	shalt  }
0x73: {  	_ =	shalt  }
0x74: {  	_ =	shalt  }
0x75: {  	_ =	shalt  }
0x76: {  	_ =	shalt  }
0x77: {  	_ =	shalt  }
0x78: {  	_ =	shalt  }
0x79: {  	_ =	shalt  }
0x7a: {  	_ =	shalt  }
0x7b: {  	_ =	shalt  }
0x7c: {  	_ =	shalt  }
0x7d: {  	_ =	shalt  }
0x7e: {  	_ =	shalt  }
0x7f: {  	_ =	shalt  }
0x80: {  	_ =	shalt  }
0x81: {  	_ =	shalt  }
0x82: {  	_ =	shalt  }
0x83: {  	_ =	shalt  }
0x84: {  	_ =	shalt  }
0x85: {  	_ =	shalt  }
0x86: {  	_ =	shalt  }
0x87: {  	_ =	shalt  }
.Lfunc_end0:
.L_simem_size_0:
called_computation_lowered:
.L_overlay_start_0:
0x88: {  	s2 =	sld [smem:$0x3FD9]  }
0x89: {  	s3 =	sld [smem:$0x3FFE];
	_ =	sdelay $0x1  }
0x8a: {  	s1 =	srdreg.scid  }
0x8b: {  	s0 =	sand.u32 $0x1, s1  }
0x8c: {  	s18 =	sshll.u32 s0, $0xA;
	s2 =	sadd.s32 s3, s2  }
0x8d: {  	s2 =	sadd.s32 s2, s18  }
0x8e: {  	[smem:$0x3FC5] =	sst s2  }
0x8f: {  	_ = 	snop  }
0x90: {  	s2 =	sld [smem:$0x3FC9]  }
0x91: {  	s19 =	sld [smem:$0x3FC8]  }
0x92: {  	s4 =	sld [smem:$0x3FC7]  }
0x93: {  	s5 =	sld [smem:$0x3FD0];
	(tm) =	ssettm $0x1  }
0x94: {  	s6 =	sld [smem:$0x3FFB];
	_ =	sdelay $0x3  }
0x95: {  	_ =	strace s6  }
0x96: {  	s6 =	sld [smem:$0x3FFC];
	_ =	sdelay $0x3  }
0x97: {  	_ =	strace s6  }
0x98: {  	s6 =	sld [smem:$0x3FFD];
	_ =	sdelay $0x3  }
0x99: {  	_ =	strace s6  }
0x9a: {  	_ =	strace $0x8FFFFFFF  }
0x9b: {  	s20 =	sld [smem:$0x3FDB];
	_ =	sdelay $0x1  }
0x9c: {  	s7 =	simm.s32 $_scs_section_size  }
0x9d: {  	s8 =	simm.s32 $_size__tile_overlayer_lowered;
	s9 =	simm.s32 $_tile_overlayer_lowered  }
0x9e: {  	s23 =	simm.s32 $0x1BFF;
	s22 =	sshll.u32 s9, $0x1;
	s6 =	sadd.s32 s7, s20  }
0x9f: {  	s10 =	simm.s32 $0x0;
	s21 =	sshll.u32 s8, $0x1;
	s8 =	sadd.s32 s22, s6  }
0xa0: {  	[timem:s10], [sflag:s23] =	dma.local [hbm:s8], s21  }
0xa1: {  	_ =	swait.ge [sflag:s23], s21  }
0xa2: {  	s7 =	ssub.s32 $0x0, s21;
	[sflag:s23] =	ssyncset.done $0x0  }
0xa3: {  	[sflag:s23] =	ssyncadd.s32 s7;
	_ =	sdelay $0x1  }
0xa4: {  	s24 =	simm.s32 $0x1B8B  }
0xa5: {  	_ =	swait.ge [sflag:s24], $0x1  }
0xa6: {  	[sflag:s24] =	ssyncset.done $0x0  }
0xa7: {  	s25 =	simm.s32 $0x1B8E;
	[sflag:s24] =	ssyncadd.s32 $0xFFFFFFFF  }
0xa8: {  	s26 =	simm.s32 $execute0_lowered;
	[smem:$0x3FD2] =	sst s25  }
0xa9: {  	s7 =	sshll.u32 s26, $0x1;
	_ =	strace $0x80000046;
	[dreg:$0x1] =	wrdreg $0xFFFFFFFF  }
0xaa: {  	s28 =	simm.s32 $_size_execute0_lowered;
	s6 =	sadd.s32 s6, s7;
	[dreg:$0x0] =	wrdreg $0x0  }
0xab: {  	s7 =	sshll.u32 s28, $0x1;
	[dreg:$0x2] =	wrdreg s6  }
0xac: {  	[dreg:$0x3] =	wrdreg s7  }
0xad: {  	[dreg:$0x4] =	wrdreg $0xC0  }
0xae: {  	_ =	task [dreg:s10], $0x5FFFF  }
0xaf: {  	[dreg:$0x1] =	wrdreg $0xFFFFFFFF  }
0xb0: {  	[dreg:$0x0] =	wrdreg $0x60  }
0xb1: {  	[dreg:$0x2] =	wrdreg s2  }
0xb2: {  	[dreg:$0x3] =	wrdreg s19  }
0xb3: {  	[dreg:$0x4] =	wrdreg s4  }
0xb4: {  	[dreg:$0x5] =	wrdreg s5  }
0xb5: {  	[dreg:$0x6] =	wrdreg $0x9  }
0xb6: {  	_ =	task.clear_ibuf [dreg:s10], $0x7FFFF;
	_ =	strace $0x90000046  }
0xb7: {  	s29 =	simm.s32 $0x9;
	_ =	strace $0x80000048  }
0xb8: {  	_ =	swait.ge [sflag:s29], $0x1  }
0xb9: {  	[sflag:s29] =	ssyncadd.s32 $0xFFFFFFFF  }
0xba: {  	_ =	strace $0x90000048  }
0xbb: {  	_ =	sfence  }
0xbc: {  	s30 =	sld [smem:$0x0];
	_ =	sdelay $0x2  }
0xbd: {  	s31 =	sshll.u32 s1, $0xD;
	s1 =	sshrl.u32 s1, $0x2  }
0xbe: {  	s3 =	sand.u32 $0x4000, s31;
	s1 =	sadd.s32 s1, s30  }
0xbf: {  	s0 =	sor.u32 s3, s0;
	s1 =	sshll.u32 s1, $0x11  }
0xc0: {  	s0 =	sor.u32 s1, s0  }
0xc1: {  	s0 =	sadd.s32 $0x8F2B, s0  }
0xc2: {  	[sflag:s0] =	ssyncadd.remote.s32 $0x1  }
0xc3: {  	_ =	sfence.sel $0xFFFF  }
0xc4: {  	[dreg:$0x0] =	wrdreg $0xFFFFFFFF;
	(pc) =	sbr.abs _section_cstart, $3  }
0xc5: {  	[dreg:$0x1] =	wrdreg $0xFFFFFFFF  }
0xc6: {  	_ =	task.clear_ibuf [dreg:s10], $0x2FFFF;
	_ =	strace $0x9FFFFFFF  }
0xc7: {  	(tm) =	ssettm $0x7FFFFFFF  }
tec
execute0_lowered:
.L_overlay_start_1:
0x0: {  	(tag) =	ssettag $0x1  }
0x1: {  	s0 =	rddreg [dreg:$0x0]  }
0x2: {  	s1 =	rddreg [dreg:$0x1]  }
0x3: {  	s2 =	rddreg [dreg:$0x2]  }
0x4: {  	s4 =	rddreg [dreg:$0x3];
	s3 =	srdreg.scid  }
0x5: {  	s6 =	stileid.u32;
	s16 =	simm.s32 $0xC;
	s17 =	simm.s32 $0x80  }
0x6: {  	s19 =	simm.s32 $0x10200;
	s28 =	simm.s32 $0x5;
	s29 =	simm.s32 $0x2  }
0x7: {  	s30 =	simm.s32 $0x6;
	s31 =	simm.s32 $0x3;
	s5 =	sand.u32 $0x1, s3  }
0x8: {  	s3 =	simm.s32 $0x0;
	s6 =	sshll.u32 s6, $0xA;
	s7 =	sshll.u32 s5, $0x9  }
0x9: {  	[smem:$0x7FF] =	sst s3;
	s5 =	ssub.s32 $0x2, s5;
	s6 =	sor.u32 s7, s6  }
0xa: {  	_ =	strace $0x80000047;
	s20 =	sshrl.u32 s5, $0x1;
	s8 =	sshrl.u32 s6, $0x3  }
0xb: {  	s5 =	ssub.s32 s5, s20;
	s22 =	sor.u32 $0x80, s6;
	s6 =	sshll.u32 s6, $0x4  }
0xc: {  	s20 =	simm.s32 $0x4200;
	s21 =	sadd.s32 s1, s8;
	s23 =	sshrl.u32 s22, $0x3  }
0xd: {  	s7 =	sshll.u32 s22, $0x4;
	s9 =	sadd.s32 s0, s6;
	s8 =	sadd.s32 s4, s6  }
0xe: {  	s25 =	sor.u32 $0x1000, s6;
	s6 =	sor.u32 $0x1800, s6;
	s15 =	smax.u32 s5, $0x1  }
0xf: {  	s22 =	simm.s32 $0x8200;
	s5 =	simm.s32 $0xB;
	[dreg:$0x5] =	wrdreg s21  }
0x10: {  	[dreg:$0x6] =	wrdreg s9;
	s1 =	sadd.s32 s1, s23;
	s24 =	sadd.s32 s0, s7  }
0x11: {  	s26 =	sadd.s32 s0, s25;
	s10 =	sadd.s32 s4, s7;
	s11 =	sadd.s32 s0, s6  }
0x12: {  	s12 =	sadd.s32 s4, s25;
	s13 =	sadd.s32 s4, s6;
	s14 =	sadd.s32 $0x1C00, s8  }
0x13: {  	s25 =	simm.s32 $0x14200;
	s0 =	simm.s32 $0x4;
	[dreg:$0x7] =	wrdreg s1  }
0x14: {  	s21 =	simm.s32 $0x7;
	s23 =	simm.s32 $0x8;
	[dreg:$0x8] =	wrdreg s24  }
0x15: {  	s4 =	simm.s32 $0xA;
	s6 =	simm.s32 $0x0;
	[dreg:$0x9] =	wrdreg s26  }
0x16: {  	s24 =	simm.s32 $0xC200;
	s26 =	simm.s32 $0x1;
	s1 =	simm.s32 $0x9  }
.LBB2_1:
0x17: {  	s7 =	rddreg [dreg:$0x5]  }
0x18: {  	[tilespmem:s3], [sflag:$0xC] =	stream.linear.gather [hbm4b:s7+s3], $0x80, $0x38;
	[tilespmem:$0x18200] =	vst v63  }
0x19: {  	_ =	swait.ge [sflag:s16], $0x80  }
0x1a: {  	[sflag:s16] =	ssyncset.done $0x0  }
0x1b: {  	s9 =	simm.s32 $0x200;
	[sflag:s16] =	ssyncadd.s32 $0xFFFFFF80  }
0x1c: {  	[tilespmem:s9], [sflag:$0x1] =	stream.indirect.gather [hbm4b:s2+s17], $0x80, s3, s17, $0xb8;
	[tilespmem:$0x18200] =	vst v63  }
0x1d: {  	s18 =	rddreg [dreg:$0x6]  }
0x1e: {  	[tilespmem:s19], [sflag:$0x5] =	stream.linear.gather [hbm4b:s18+s3], $0x4000, $0x38;
	[tilespmem:$0x18200] =	vst v63  }
0x1f: {  	s9 =	rddreg [dreg:$0x7]  }
0x20: {  	[tilespmem:s17], [sflag:$0xC] =	stream.linear.gather [hbm4b:s9+s3], $0x180, $0x38;
	[tilespmem:$0x18200] =	vst v63  }
0x21: {  	_ =	swait.ge [sflag:s16], $0x180  }
0x22: {  	[sflag:s16] =	ssyncset.done $0x0  }
0x23: {  	[sflag:s16] =	ssyncadd.s32 $0xFFFFFE80  }
0x24: {  	[tilespmem:s20], [sflag:$0x2] =	stream.indirect.gather [hbm4b:s2+s17], $0x80, s17, s17, $0xb8;
	[tilespmem:$0x18200] =	vst v63  }
0x25: {  	s18 =	simm.s32 $0x100  }
0x26: {  	[tilespmem:s22], [sflag:$0x3] =	stream.indirect.gather [hbm4b:s2+s17], $0x80, s18, s17, $0xb8;
	[tilespmem:$0x18200] =	vst v63  }
0x27: {  	s9 =	simm.s32 $0x180  }
0x28: {  	[tilespmem:s24], [sflag:$0x4] =	stream.indirect.gather [hbm4b:s2+s17], $0x80, s9, s17, $0xb8;
	[tilespmem:$0x18200] =	vst v63  }
0x29: {  	s18 =	rddreg [dreg:$0x8]  }
0x2a: {  	[tilespmem:s25], [sflag:$0x6] =	stream.linear.gather [hbm4b:s18+s3], $0x4000, $0x38;
	[tilespmem:$0x18200] =	vst v63  }
0x2b: {  	_ =	swait.ge [sflag:s26], $0x4000  }
0x2c: {  	[sflag:s26] =	ssyncset.done $0x0  }
0x2d: {  	[sflag:s26] =	ssyncadd.s32 $0xFFFFC000  }
0x2e: {  	_ =	swait.ge [sflag:s28], $0x4000  }
0x2f: {  	[sflag:s28] =	ssyncset.done $0x0  }
0x30: {  	s7 =	simm.s32 $0x0;
	[sflag:s28] =	ssyncadd.s32 $0xFFFFC000  }
0x31: {  	v6 =	vld [tilespmem:s7+$0x10200]  }
0x32: {  	v11 =	vld [tilespmem:s7+$0x10210]  }
0x33: {  	v5 =	vld [tilespmem:s7+$0x10220]  }
0x34: {  	v4 =	vld [tilespmem:s7+$0x10230]  }
0x35: {  	v3 =	vld [tilespmem:s7+$0x10240]  }
0x36: {  	v2 =	vld [tilespmem:s7+$0x10250]  }
0x37: {  	v1 =	vld [tilespmem:s7+$0x10260]  }
0x38: {  	v0 =	vld [tilespmem:s7+$0x10270]  }
0x39: {  	v10 =	vld [tilespmem:s7+$0x200]  }
0x3a: {  	v9 =	vld [tilespmem:s7+$0x210]  }
0x3b: {  	v8 =	vld [tilespmem:s7+$0x220]  }
0x3c: {  	v7 =	vld [tilespmem:s7+$0x230];
	v12 =	vmul.f32 $1.131370830e+01, v6  }
0x3d: {  	s18 =	simm.s32 $0x200;
	v11 =	vmul.f32 $1.131370830e+01, v11;
	v6 =	vld [tilespmem:s7+$0x240]  }
.LBB2_2:
0x3e: {  	p0 =	sne.s32 s18, $0xFE00;
	v10 =	vmul.f32 v12, v10;
	v5 =	vmul.f32 $1.131370830e+01, v5;
	v12 =	vld [tilespmem:s7+$0x250]  }
0x3f: {  	v4 =	vmul.f32 $1.131370830e+01, v4;
	v9 =	vmul.f32 v11, v9;
	v11 =	vld [tilespmem:s7+$0x260]  }
0x40: {  	s9 =	sshra.s32 s18, $0x2;
	v3 =	vmul.f32 $1.131370830e+01, v3;
	[tilespmem:s7+$0x200] =	vst v10;
	v5 =	vmul.f32 v5, v8;
	v8 =	vld [tilespmem:s7+$0x270]  }
0x41: {  	v2 =	vmul.f32 $1.131370830e+01, v2;
	v13 =	vld [tilespmem:s9+$0x10200];
	[tilespmem:s7+$0x210] =	vst v9;
	v4 =	vmul.f32 v4, v7  }
0x42: {  	v1 =	vmul.f32 $1.131370830e+01, v1;
	v14 =	vld [tilespmem:s9+$0x10210];
	[tilespmem:s7+$0x220] =	vst v5;
	v3 =	vmul.f32 v3, v6  }
0x43: {  	v0 =	vmul.f32 $1.131370830e+01, v0;
	v5 =	vld [tilespmem:s9+$0x10220];
	[tilespmem:s7+$0x230] =	vst v4;
	v2 =	vmul.f32 v2, v12  }
0x44: {  	v4 =	vld [tilespmem:s9+$0x10230];
	[tilespmem:s7+$0x240] =	vst v3;
	v1 =	vmul.f32 v1, v11  }
0x45: {  	v3 =	vld [tilespmem:s9+$0x10240];
	[tilespmem:s7+$0x250] =	vst v2;
	v0 =	vmul.f32 v0, v8  }
0x46: {  	v2 =	vld [tilespmem:s9+$0x10250];
	[tilespmem:s7+$0x260] =	vst v1  }
0x47: {  	v1 =	vld [tilespmem:s9+$0x10260];
	[tilespmem:s7+$0x270] =	vst v0;
	s7 =	smov.u32 s9  }
0x48: {  	v0 =	vld [tilespmem:s7+$0x10270]  }
.Ltmp0:
0x49: {  	v10 =	vld [tilespmem:s7+$0x200];
	(pc) =	sbr.rel @p0 .LBB2_2-.Ltmp0, $4  }
0x4a: {  	v9 =	vld [tilespmem:s7+$0x210]  }
0x4b: {  	v8 =	vld [tilespmem:s7+$0x220]  }
0x4c: {  	v12 =	vmul.f32 $1.131370830e+01, v13;
	v7 =	vld [tilespmem:s7+$0x230]  }
0x4d: {  	s18 =	sadd.s32 $0x200, s18;
	v11 =	vmul.f32 $1.131370830e+01, v14;
	v6 =	vld [tilespmem:s7+$0x240]  }
0x4e: {  	v10 =	vmul.f32 v12, v10;
	v12 =	vld [tilespmem:s7+$0x250];
	v5 =	vmul.f32 $1.131370830e+01, v5  }
0x4f: {  	v13 =	vld [tilespmem:s7+$0x260];
	v4 =	vmul.f32 $1.131370830e+01, v4;
	v9 =	vmul.f32 v11, v9  }
0x50: {  	v3 =	vmul.f32 $1.131370830e+01, v3;
	[tilespmem:s7+$0x200] =	vst v10;
	v5 =	vmul.f32 v5, v8;
	v8 =	vld [tilespmem:s7+$0x270]  }
0x51: {  	v2 =	vmul.f32 $1.131370830e+01, v2;
	[tilespmem:s7+$0x210] =	vst v9;
	v4 =	vmul.f32 v4, v7  }
0x52: {  	v1 =	vmul.f32 $1.131370830e+01, v1;
	[tilespmem:s7+$0x220] =	vst v5;
	v3 =	vmul.f32 v3, v6  }
0x53: {  	v0 =	vmul.f32 $1.131370830e+01, v0;
	[tilespmem:s7+$0x230] =	vst v4;
	v2 =	vmul.f32 v2, v12  }
0x54: {  	v1 =	vmul.f32 v1, v13;
	[tilespmem:s7+$0x240] =	vst v3  }
0x55: {  	[tilespmem:s7+$0x250] =	vst v2;
	v0 =	vmul.f32 v0, v8  }
0x56: {  	[tilespmem:s7+$0x260] =	vst v1  }
0x57: {  	s9 =	simm.s32 $0x200;
	[tilespmem:s7+$0x270] =	vst v0;
	s7 =	simm.s32 $0x0  }
0x58: {  	[hbm4b:s8+s7] =	stream.linear.scatter [tilespmem:s9], [sflag:$0x7], $0x4000, $0x38;
	[tilespmem:$0x18200] =	vst v63  }
0x59: {  	s18 =	rddreg [dreg:$0x9]  }
0x5a: {  	[tilespmem:s19], [sflag:$0x5] =	stream.linear.gather [hbm4b:s18+s7], $0x4000, $0x38;
	[tilespmem:$0x18200] =	vst v63  }
0x5b: {  	_ =	swait.ge [sflag:s29], $0x4000  }
0x5c: {  	[sflag:s29] =	ssyncset.done $0x0  }
0x5d: {  	[sflag:s29] =	ssyncadd.s32 $0xFFFFC000  }
0x5e: {  	_ =	swait.ge [sflag:s30], $0x4000  }
0x5f: {  	[sflag:s30] =	ssyncset.done $0x0  }
0x60: {  	s7 =	simm.s32 $0x0;
	[sflag:s30] =	ssyncadd.s32 $0xFFFFC000  }
0x61: {  	v6 =	vld [tilespmem:s7+$0x14200]  }
0x62: {  	v11 =	vld [tilespmem:s7+$0x14210]  }
0x63: {  	v5 =	vld [tilespmem:s7+$0x14220]  }
0x64: {  	v4 =	vld [tilespmem:s7+$0x14230]  }
0x65: {  	v3 =	vld [tilespmem:s7+$0x14240]  }
0x66: {  	v2 =	vld [tilespmem:s7+$0x14250]  }
0x67: {  	v1 =	vld [tilespmem:s7+$0x14260]  }
0x68: {  	v0 =	vld [tilespmem:s7+$0x14270]  }
0x69: {  	v10 =	vld [tilespmem:s7+$0x4200]  }
0x6a: {  	v9 =	vld [tilespmem:s7+$0x4210]  }
0x6b: {  	v8 =	vld [tilespmem:s7+$0x4220]  }
0x6c: {  	v7 =	vld [tilespmem:s7+$0x4230];
	v12 =	vmul.f32 $1.131370830e+01, v6  }
0x6d: {  	s18 =	simm.s32 $0x200;
	v11 =	vmul.f32 $1.131370830e+01, v11;
	v6 =	vld [tilespmem:s7+$0x4240]  }
.LBB2_4:
0x6e: {  	p0 =	sne.s32 s18, $0xFE00;
	v10 =	vmul.f32 v12, v10;
	v5 =	vmul.f32 $1.131370830e+01, v5;
	v12 =	vld [tilespmem:s7+$0x4250]  }
0x6f: {  	v4 =	vmul.f32 $1.131370830e+01, v4;
	v9 =	vmul.f32 v11, v9;
	v11 =	vld [tilespmem:s7+$0x4260]  }
0x70: {  	s9 =	sshra.s32 s18, $0x2;
	v3 =	vmul.f32 $1.131370830e+01, v3;
	[tilespmem:s7+$0x4200] =	vst v10;
	v5 =	vmul.f32 v5, v8;
	v8 =	vld [tilespmem:s7+$0x4270]  }
0x71: {  	v2 =	vmul.f32 $1.131370830e+01, v2;
	v13 =	vld [tilespmem:s9+$0x14200];
	[tilespmem:s7+$0x4210] =	vst v9;
	v4 =	vmul.f32 v4, v7  }
0x72: {  	v1 =	vmul.f32 $1.131370830e+01, v1;
	v14 =	vld [tilespmem:s9+$0x14210];
	[tilespmem:s7+$0x4220] =	vst v5;
	v3 =	vmul.f32 v3, v6  }
0x73: {  	v0 =	vmul.f32 $1.131370830e+01, v0;
	v5 =	vld [tilespmem:s9+$0x14220];
	[tilespmem:s7+$0x4230] =	vst v4;
	v2 =	vmul.f32 v2, v12  }
0x74: {  	v4 =	vld [tilespmem:s9+$0x14230];
	[tilespmem:s7+$0x4240] =	vst v3;
	v1 =	vmul.f32 v1, v11  }
0x75: {  	v3 =	vld [tilespmem:s9+$0x14240];
	[tilespmem:s7+$0x4250] =	vst v2;
	v0 =	vmul.f32 v0, v8  }
0x76: {  	v2 =	vld [tilespmem:s9+$0x14250];
	[tilespmem:s7+$0x4260] =	vst v1  }
0x77: {  	v1 =	vld [tilespmem:s9+$0x14260];
	[tilespmem:s7+$0x4270] =	vst v0;
	s7 =	smov.u32 s9  }
0x78: {  	v0 =	vld [tilespmem:s7+$0x14270]  }
.Ltmp1:
0x79: {  	v10 =	vld [tilespmem:s7+$0x4200];
	(pc) =	sbr.rel @p0 .LBB2_4-.Ltmp1, $4  }
0x7a: {  	v9 =	vld [tilespmem:s7+$0x4210]  }
0x7b: {  	v8 =	vld [tilespmem:s7+$0x4220]  }
0x7c: {  	v12 =	vmul.f32 $1.131370830e+01, v13;
	v7 =	vld [tilespmem:s7+$0x4230]  }
0x7d: {  	s18 =	sadd.s32 $0x200, s18;
	v11 =	vmul.f32 $1.131370830e+01, v14;
	v6 =	vld [tilespmem:s7+$0x4240]  }
0x7e: {  	v10 =	vmul.f32 v12, v10;
	v12 =	vld [tilespmem:s7+$0x4250];
	v5 =	vmul.f32 $1.131370830e+01, v5  }
0x7f: {  	v13 =	vld [tilespmem:s7+$0x4260];
	v4 =	vmul.f32 $1.131370830e+01, v4;
	v9 =	vmul.f32 v11, v9  }
0x80: {  	v3 =	vmul.f32 $1.131370830e+01, v3;
	[tilespmem:s7+$0x4200] =	vst v10;
	v5 =	vmul.f32 v5, v8;
	v8 =	vld [tilespmem:s7+$0x4270]  }
0x81: {  	v2 =	vmul.f32 $1.131370830e+01, v2;
	[tilespmem:s7+$0x4210] =	vst v9;
	v4 =	vmul.f32 v4, v7  }
0x82: {  	v1 =	vmul.f32 $1.131370830e+01, v1;
	[tilespmem:s7+$0x4220] =	vst v5;
	v3 =	vmul.f32 v3, v6  }
0x83: {  	v0 =	vmul.f32 $1.131370830e+01, v0;
	[tilespmem:s7+$0x4230] =	vst v4;
	v2 =	vmul.f32 v2, v12  }
0x84: {  	v1 =	vmul.f32 v1, v13;
	[tilespmem:s7+$0x4240] =	vst v3  }
0x85: {  	[tilespmem:s7+$0x4250] =	vst v2;
	v0 =	vmul.f32 v0, v8  }
0x86: {  	[tilespmem:s7+$0x4260] =	vst v1  }
0x87: {  	s18 =	simm.s32 $0x0;
	[tilespmem:s7+$0x4270] =	vst v0  }
0x88: {  	[hbm4b:s10+s18] =	stream.linear.scatter [tilespmem:s20], [sflag:$0x8], $0x4000, $0x38;
	[tilespmem:$0x18200] =	vst v63  }
0x89: {  	_ = 	snop  }
0x8a: {  	[tilespmem:s25], [sflag:$0x6] =	stream.linear.gather [hbm4b:s11+s18], $0x4000, $0x38;
	[tilespmem:$0x18200] =	vst v63  }
0x8b: {  	_ =	swait.ge [sflag:s31], $0x4000  }
0x8c: {  	[sflag:s31] =	ssyncset.done $0x0  }
0x8d: {  	[sflag:s31] =	ssyncadd.s32 $0xFFFFC000  }
0x8e: {  	_ =	swait.ge [sflag:s28], $0x4000  }
0x8f: {  	[sflag:s28] =	ssyncset.done $0x0  }
0x90: {  	s7 =	simm.s32 $0x0;
	[sflag:s28] =	ssyncadd.s32 $0xFFFFC000  }
0x91: {  	v6 =	vld [tilespmem:s7+$0x10200]  }
0x92: {  	v11 =	vld [tilespmem:s7+$0x10210]  }
0x93: {  	v5 =	vld [tilespmem:s7+$0x10220]  }
0x94: {  	v4 =	vld [tilespmem:s7+$0x10230]  }
0x95: {  	v3 =	vld [tilespmem:s7+$0x10240]  }
0x96: {  	v2 =	vld [tilespmem:s7+$0x10250]  }
0x97: {  	v1 =	vld [tilespmem:s7+$0x10260]  }
0x98: {  	v0 =	vld [tilespmem:s7+$0x10270]  }
0x99: {  	v10 =	vld [tilespmem:s7+$0x8200]  }
0x9a: {  	v9 =	vld [tilespmem:s7+$0x8210]  }
0x9b: {  	v8 =	vld [tilespmem:s7+$0x8220]  }
0x9c: {  	v7 =	vld [tilespmem:s7+$0x8230];
	v12 =	vmul.f32 $1.131370830e+01, v6  }
0x9d: {  	s18 =	simm.s32 $0x200;
	v11 =	vmul.f32 $1.131370830e+01, v11;
	v6 =	vld [tilespmem:s7+$0x8240]  }
.LBB2_6:
0x9e: {  	p0 =	sne.s32 s18, $0xFE00;
	v10 =	vmul.f32 v12, v10;
	v5 =	vmul.f32 $1.131370830e+01, v5;
	v12 =	vld [tilespmem:s7+$0x8250]  }
0x9f: {  	v4 =	vmul.f32 $1.131370830e+01, v4;
	v9 =	vmul.f32 v11, v9;
	v11 =	vld [tilespmem:s7+$0x8260]  }
0xa0: {  	s9 =	sshra.s32 s18, $0x2;
	v3 =	vmul.f32 $1.131370830e+01, v3;
	[tilespmem:s7+$0x8200] =	vst v10;
	v5 =	vmul.f32 v5, v8;
	v8 =	vld [tilespmem:s7+$0x8270]  }
0xa1: {  	v2 =	vmul.f32 $1.131370830e+01, v2;
	v13 =	vld [tilespmem:s9+$0x10200];
	[tilespmem:s7+$0x8210] =	vst v9;
	v4 =	vmul.f32 v4, v7  }
0xa2: {  	v1 =	vmul.f32 $1.131370830e+01, v1;
	v14 =	vld [tilespmem:s9+$0x10210];
	[tilespmem:s7+$0x8220] =	vst v5;
	v3 =	vmul.f32 v3, v6  }
0xa3: {  	v0 =	vmul.f32 $1.131370830e+01, v0;
	v5 =	vld [tilespmem:s9+$0x10220];
	[tilespmem:s7+$0x8230] =	vst v4;
	v2 =	vmul.f32 v2, v12  }
0xa4: {  	v4 =	vld [tilespmem:s9+$0x10230];
	[tilespmem:s7+$0x8240] =	vst v3;
	v1 =	vmul.f32 v1, v11  }
0xa5: {  	v3 =	vld [tilespmem:s9+$0x10240];
	[tilespmem:s7+$0x8250] =	vst v2;
	v0 =	vmul.f32 v0, v8  }
0xa6: {  	v2 =	vld [tilespmem:s9+$0x10250];
	[tilespmem:s7+$0x8260] =	vst v1  }
0xa7: {  	v1 =	vld [tilespmem:s9+$0x10260];
	[tilespmem:s7+$0x8270] =	vst v0;
	s7 =	smov.u32 s9  }
0xa8: {  	v0 =	vld [tilespmem:s7+$0x10270]  }
.Ltmp2:
0xa9: {  	v10 =	vld [tilespmem:s7+$0x8200];
	(pc) =	sbr.rel @p0 .LBB2_6-.Ltmp2, $4  }
0xaa: {  	v9 =	vld [tilespmem:s7+$0x8210]  }
0xab: {  	v8 =	vld [tilespmem:s7+$0x8220]  }
0xac: {  	v12 =	vmul.f32 $1.131370830e+01, v13;
	v7 =	vld [tilespmem:s7+$0x8230]  }
0xad: {  	s18 =	sadd.s32 $0x200, s18;
	v11 =	vmul.f32 $1.131370830e+01, v14;
	v6 =	vld [tilespmem:s7+$0x8240]  }
0xae: {  	v10 =	vmul.f32 v12, v10;
	v12 =	vld [tilespmem:s7+$0x8250];
	v5 =	vmul.f32 $1.131370830e+01, v5  }
0xaf: {  	v13 =	vld [tilespmem:s7+$0x8260];
	v4 =	vmul.f32 $1.131370830e+01, v4;
	v9 =	vmul.f32 v11, v9  }
0xb0: {  	v3 =	vmul.f32 $1.131370830e+01, v3;
	[tilespmem:s7+$0x8200] =	vst v10;
	v5 =	vmul.f32 v5, v8;
	v8 =	vld [tilespmem:s7+$0x8270]  }
0xb1: {  	v2 =	vmul.f32 $1.131370830e+01, v2;
	[tilespmem:s7+$0x8210] =	vst v9;
	v4 =	vmul.f32 v4, v7  }
0xb2: {  	v1 =	vmul.f32 $1.131370830e+01, v1;
	[tilespmem:s7+$0x8220] =	vst v5;
	v3 =	vmul.f32 v3, v6  }
0xb3: {  	v0 =	vmul.f32 $1.131370830e+01, v0;
	[tilespmem:s7+$0x8230] =	vst v4;
	v2 =	vmul.f32 v2, v12  }
0xb4: {  	v1 =	vmul.f32 v1, v13;
	[tilespmem:s7+$0x8240] =	vst v3  }
0xb5: {  	[tilespmem:s7+$0x8250] =	vst v2;
	v0 =	vmul.f32 v0, v8  }
0xb6: {  	[tilespmem:s7+$0x8260] =	vst v1  }
0xb7: {  	s18 =	simm.s32 $0x0;
	[tilespmem:s7+$0x8270] =	vst v0  }
0xb8: {  	[hbm4b:s12+s18] =	stream.linear.scatter [tilespmem:s22], [sflag:$0x9], $0x4000, $0x38;
	[tilespmem:$0x18200] =	vst v63  }
0xb9: {  	_ =	swait.ge [sflag:s0], $0x4000  }
0xba: {  	[sflag:s0] =	ssyncset.done $0x0  }
0xbb: {  	[sflag:s0] =	ssyncadd.s32 $0xFFFFC000  }
0xbc: {  	_ =	swait.ge [sflag:s30], $0x4000  }
0xbd: {  	[sflag:s30] =	ssyncset.done $0x0  }
0xbe: {  	s7 =	simm.s32 $0x0;
	[sflag:s30] =	ssyncadd.s32 $0xFFFFC000  }
0xbf: {  	v6 =	vld [tilespmem:s7+$0x14200]  }
0xc0: {  	v11 =	vld [tilespmem:s7+$0x14210]  }
0xc1: {  	v5 =	vld [tilespmem:s7+$0x14220]  }
0xc2: {  	v4 =	vld [tilespmem:s7+$0x14230]  }
0xc3: {  	v3 =	vld [tilespmem:s7+$0x14240]  }
0xc4: {  	v2 =	vld [tilespmem:s7+$0x14250]  }
0xc5: {  	v1 =	vld [tilespmem:s7+$0x14260]  }
0xc6: {  	v0 =	vld [tilespmem:s7+$0x14270]  }
0xc7: {  	v10 =	vld [tilespmem:s7+$0xC200]  }
0xc8: {  	v9 =	vld [tilespmem:s7+$0xC210]  }
0xc9: {  	v8 =	vld [tilespmem:s7+$0xC220]  }
0xca: {  	v7 =	vld [tilespmem:s7+$0xC230];
	v12 =	vmul.f32 $1.131370830e+01, v6  }
0xcb: {  	s18 =	simm.s32 $0x200;
	v11 =	vmul.f32 $1.131370830e+01, v11;
	v6 =	vld [tilespmem:s7+$0xC240]  }
.LBB2_8:
0xcc: {  	p0 =	sne.s32 s18, $0x7E00;
	v10 =	vmul.f32 v12, v10;
	v5 =	vmul.f32 $1.131370830e+01, v5;
	v12 =	vld [tilespmem:s7+$0xC250]  }
0xcd: {  	v4 =	vmul.f32 $1.131370830e+01, v4;
	v9 =	vmul.f32 v11, v9;
	v11 =	vld [tilespmem:s7+$0xC260]  }
0xce: {  	s9 =	sshra.s32 s18, $0x2;
	v3 =	vmul.f32 $1.131370830e+01, v3;
	[tilespmem:s7+$0xC200] =	vst v10;
	v5 =	vmul.f32 v5, v8;
	v8 =	vld [tilespmem:s7+$0xC270]  }
0xcf: {  	v2 =	vmul.f32 $1.131370830e+01, v2;
	v13 =	vld [tilespmem:s9+$0x14200];
	[tilespmem:s7+$0xC210] =	vst v9;
	v4 =	vmul.f32 v4, v7  }
0xd0: {  	v1 =	vmul.f32 $1.131370830e+01, v1;
	v14 =	vld [tilespmem:s9+$0x14210];
	[tilespmem:s7+$0xC220] =	vst v5;
	v3 =	vmul.f32 v3, v6  }
0xd1: {  	v0 =	vmul.f32 $1.131370830e+01, v0;
	v5 =	vld [tilespmem:s9+$0x14220];
	[tilespmem:s7+$0xC230] =	vst v4;
	v2 =	vmul.f32 v2, v12  }
0xd2: {  	v4 =	vld [tilespmem:s9+$0x14230];
	[tilespmem:s7+$0xC240] =	vst v3;
	v1 =	vmul.f32 v1, v11  }
0xd3: {  	v3 =	vld [tilespmem:s9+$0x14240];
	[tilespmem:s7+$0xC250] =	vst v2;
	v0 =	vmul.f32 v0, v8  }
0xd4: {  	v2 =	vld [tilespmem:s9+$0x14250];
	[tilespmem:s7+$0xC260] =	vst v1  }
0xd5: {  	v1 =	vld [tilespmem:s9+$0x14260];
	[tilespmem:s7+$0xC270] =	vst v0;
	s7 =	smov.u32 s9  }
0xd6: {  	v0 =	vld [tilespmem:s7+$0x14270]  }
.Ltmp3:
0xd7: {  	v10 =	vld [tilespmem:s7+$0xC200];
	(pc) =	sbr.rel @p0 .LBB2_8-.Ltmp3, $4  }
0xd8: {  	v9 =	vld [tilespmem:s7+$0xC210]  }
0xd9: {  	v8 =	vld [tilespmem:s7+$0xC220]  }
0xda: {  	v12 =	vmul.f32 $1.131370830e+01, v13;
	v7 =	vld [tilespmem:s7+$0xC230]  }
0xdb: {  	s18 =	sadd.s32 $0x200, s18;
	v11 =	vmul.f32 $1.131370830e+01, v14;
	v6 =	vld [tilespmem:s7+$0xC240]  }
0xdc: {  	v10 =	vmul.f32 v12, v10;
	v12 =	vld [tilespmem:s7+$0xC250];
	v5 =	vmul.f32 $1.131370830e+01, v5  }
0xdd: {  	v13 =	vld [tilespmem:s7+$0xC260];
	v4 =	vmul.f32 $1.131370830e+01, v4;
	v9 =	vmul.f32 v11, v9  }
0xde: {  	v3 =	vmul.f32 $1.131370830e+01, v3;
	[tilespmem:s7+$0xC200] =	vst v10;
	v5 =	vmul.f32 v5, v8;
	v8 =	vld [tilespmem:s7+$0xC270]  }
0xdf: {  	v2 =	vmul.f32 $1.131370830e+01, v2;
	[tilespmem:s7+$0xC210] =	vst v9;
	v4 =	vmul.f32 v4, v7  }
0xe0: {  	v1 =	vmul.f32 $1.131370830e+01, v1;
	[tilespmem:s7+$0xC220] =	vst v5;
	v3 =	vmul.f32 v3, v6  }
0xe1: {  	v0 =	vmul.f32 $1.131370830e+01, v0;
	[tilespmem:s7+$0xC230] =	vst v4;
	v2 =	vmul.f32 v2, v12  }
0xe2: {  	v1 =	vmul.f32 v1, v13;
	[tilespmem:s7+$0xC240] =	vst v3  }
0xe3: {  	[tilespmem:s7+$0xC250] =	vst v2;
	v0 =	vmul.f32 v0, v8  }
0xe4: {  	[tilespmem:s7+$0xC260] =	vst v1  }
0xe5: {  	s18 =	simm.s32 $0x0;
	[tilespmem:s7+$0xC270] =	vst v0;
	s7 =	simm.s32 $0x0  }
0xe6: {  	[hbm4b:s13+s18] =	stream.linear.scatter [tilespmem:s24], [sflag:$0xA], $0x2000, $0x38;
	[tilespmem:$0x18200] =	vst v63  }
0xe7: {  	v6 =	vld [tilespmem:s7+$0x16200]  }
0xe8: {  	v11 =	vld [tilespmem:s7+$0x16210]  }
0xe9: {  	v5 =	vld [tilespmem:s7+$0x16220]  }
0xea: {  	v4 =	vld [tilespmem:s7+$0x16230]  }
0xeb: {  	v3 =	vld [tilespmem:s7+$0x16240]  }
0xec: {  	v2 =	vld [tilespmem:s7+$0x16250]  }
0xed: {  	v1 =	vld [tilespmem:s7+$0x16260]  }
0xee: {  	v0 =	vld [tilespmem:s7+$0x16270]  }
0xef: {  	v10 =	vld [tilespmem:s7+$0xE200]  }
0xf0: {  	v9 =	vld [tilespmem:s7+$0xE210]  }
0xf1: {  	v8 =	vld [tilespmem:s7+$0xE220]  }
0xf2: {  	v7 =	vld [tilespmem:s7+$0xE230];
	v12 =	vmul.f32 $1.131370830e+01, v6  }
0xf3: {  	s18 =	simm.s32 $0x200;
	v11 =	vmul.f32 $1.131370830e+01, v11;
	v6 =	vld [tilespmem:s7+$0xE240]  }
.LBB2_10:
0xf4: {  	p0 =	sne.s32 s18, $0x7E00;
	v10 =	vmul.f32 v12, v10;
	v5 =	vmul.f32 $1.131370830e+01, v5;
	v12 =	vld [tilespmem:s7+$0xE250]  }
0xf5: {  	v4 =	vmul.f32 $1.131370830e+01, v4;
	v9 =	vmul.f32 v11, v9;
	v11 =	vld [tilespmem:s7+$0xE260]  }
0xf6: {  	s9 =	sshra.s32 s18, $0x2;
	v3 =	vmul.f32 $1.131370830e+01, v3;
	[tilespmem:s7+$0xE200] =	vst v10;
	v5 =	vmul.f32 v5, v8;
	v8 =	vld [tilespmem:s7+$0xE270]  }
0xf7: {  	v2 =	vmul.f32 $1.131370830e+01, v2;
	v13 =	vld [tilespmem:s9+$0x16200];
	[tilespmem:s7+$0xE210] =	vst v9;
	v4 =	vmul.f32 v4, v7  }
0xf8: {  	v1 =	vmul.f32 $1.131370830e+01, v1;
	v14 =	vld [tilespmem:s9+$0x16210];
	[tilespmem:s7+$0xE220] =	vst v5;
	v3 =	vmul.f32 v3, v6  }
0xf9: {  	v0 =	vmul.f32 $1.131370830e+01, v0;
	v5 =	vld [tilespmem:s9+$0x16220];
	[tilespmem:s7+$0xE230] =	vst v4;
	v2 =	vmul.f32 v2, v12  }
0xfa: {  	v4 =	vld [tilespmem:s9+$0x16230];
	[tilespmem:s7+$0xE240] =	vst v3;
	v1 =	vmul.f32 v1, v11  }
0xfb: {  	v3 =	vld [tilespmem:s9+$0x16240];
	[tilespmem:s7+$0xE250] =	vst v2;
	v0 =	vmul.f32 v0, v8  }
0xfc: {  	v2 =	vld [tilespmem:s9+$0x16250];
	[tilespmem:s7+$0xE260] =	vst v1  }
0xfd: {  	v1 =	vld [tilespmem:s9+$0x16260];
	[tilespmem:s7+$0xE270] =	vst v0;
	s7 =	smov.u32 s9  }
0xfe: {  	v0 =	vld [tilespmem:s7+$0x16270]  }
.Ltmp4:
0xff: {  	v10 =	vld [tilespmem:s7+$0xE200];
	(pc) =	sbr.rel @p0 .LBB2_10-.Ltmp4, $4  }
0x100: {  	v9 =	vld [tilespmem:s7+$0xE210]  }
0x101: {  	v8 =	vld [tilespmem:s7+$0xE220]  }
0x102: {  	v12 =	vmul.f32 $1.131370830e+01, v13;
	v7 =	vld [tilespmem:s7+$0xE230]  }
0x103: {  	s18 =	sadd.s32 $0x200, s18;
	v11 =	vmul.f32 $1.131370830e+01, v14;
	v6 =	vld [tilespmem:s7+$0xE240]  }
0x104: {  	v10 =	vmul.f32 v12, v10;
	v62 =	vld [tilespmem:s7+$0xE250];
	v5 =	vmul.f32 $1.131370830e+01, v5  }
0x105: {  	v13 =	vld [tilespmem:s7+$0xE260];
	v4 =	vmul.f32 $1.131370830e+01, v4;
	v9 =	vmul.f32 v11, v9  }
0x106: {  	v3 =	vmul.f32 $1.131370830e+01, v3;
	v63 =	vld [tilespmem:s7+$0xE270];
	[tilespmem:s7+$0xE200] =	vst v10;
	v5 =	vmul.f32 v5, v8  }
0x107: {  	v2 =	vmul.f32 $1.131370830e+01, v2;
	[tilespmem:s7+$0xE210] =	vst v9;
	v4 =	vmul.f32 v4, v7  }
0x108: {  	v1 =	vmul.f32 $1.131370830e+01, v1;
	[tilespmem:s7+$0xE220] =	vst v5;
	v3 =	vmul.f32 v3, v6  }
0x109: {  	v0 =	vmul.f32 $1.131370830e+01, v0;
	[tilespmem:s7+$0xE230] =	vst v4;
	v2 =	vmul.f32 v2, v62  }
0x10a: {  	v1 =	vmul.f32 v1, v13;
	[tilespmem:s7+$0xE240] =	vst v3  }
0x10b: {  	v0 =	vmul.f32 v0, v63;
	[tilespmem:s7+$0xE250] =	vst v2  }
0x10c: {  	[tilespmem:s7+$0xE260] =	vst v1  }
0x10d: {  	s18 =	simm.s32 $0xE200;
	[tilespmem:s7+$0xE270] =	vst v0  }
0x10e: {  	[hbm4b:s14+s3] =	stream.linear.scatter [tilespmem:s18], [sflag:$0xB], $0x2000, $0x38;
	[tilespmem:$0x18200] =	vst v63  }
0x10f: {  	_ =	swait.ge [sflag:s21], $0x4000  }
0x110: {  	[sflag:s21] =	ssyncset.done $0x0  }
0x111: {  	[sflag:s21] =	ssyncadd.s32 $0xFFFFC000  }
0x112: {  	_ =	swait.ge [sflag:s23], $0x4000  }
0x113: {  	[sflag:s23] =	ssyncset.done $0x0  }
0x114: {  	[sflag:s23] =	ssyncadd.s32 $0xFFFFC000  }
0x115: {  	_ =	swait.ge [sflag:s1], $0x4000  }
0x116: {  	[sflag:s1] =	ssyncset.done $0x0  }
0x117: {  	s6 =	sadd.s32 $0x1, s6;
	[sflag:s1] =	ssyncadd.s32 $0xFFFFC000  }
0x118: {  	p0 =	sne.s32 s6, s15;
	_ =	swait.ge [sflag:s4], $0x2000  }
.Ltmp5:
0x119: {  	[sflag:s4] =	ssyncset.done $0x0;
	(pc) =	sbr.rel @p0 .LBB2_1-.Ltmp5, $4  }
0x11a: {  	[sflag:s4] =	ssyncadd.s32 $0xFFFFE000  }
0x11b: {  	_ =	swait.ge [sflag:s5], $0x2000  }
0x11c: {  	[sflag:s5] =	ssyncset.done $0x0  }
0x11d: {  	[sflag:s5] =	ssyncadd.s32 $0xFFFFE000  }
0x11e: {  	_ =	sfence.sel $0x180000  }
0x11f: {  	[bflag:$0x0] =	sbarrier.arrive $0xFFFF  }
0x120: {  	_ =	strace $0x90000047  }
0x121: {  	s0 =	stileid.u32;
	[bflag:$0x2] =	sbarrier.arrive $0xFFFF  }
0x122: {  	p0 =	sne.s32 s0, $0x0;
	s0 =	rddreg [dreg:$0x4]  }
0x123: {  	s0 =	sadd.s32 @!p0 $0x100000, s0  }
0x124: {  	[sflag:s0] =	ssyncadd.tile.s32 @!p0 $0x1;
	_ =	shalt  }
.Lfunc_end2:
_tile_overlayer_lowered:
.L_overlay_start_2:
0x125: {  	(tag) =	ssettag $0x2  }
0x126: {  	s0 =	rddreg [dreg:$0x0];
	s2 =	stileid.u32  }
0x127: {  	s1 =	rddreg [dreg:$0x1];
	p0 =	sne.s32 s2, $0x0  }
0x128: {  	s3 =	rddreg [dreg:$0x2];
	[bflag:$0x3] =	sbarrier.arrive $0xFFFF;
	s2 =	simm.s32 @!p0 $0x1C0C  }
0x129: {  	[timem:s3], [sflag:s2] =	dma.local @!p0 [hbm:s0], s1  }
0x12a: {  	s0 =	simm.s32 @!p0 $0xC  }
0x12b: {  	_ =	swait.ge @!p0 [sflag:s0], s1  }
0x12c: {  	s1 =	ssub.s32 @!p0 $0x0, s1;
	[sflag:s0] =	ssyncset.done @!p0 $0x0  }
0x12d: {  	[sflag:s0] =	ssyncadd.s32 @!p0 s1  }
0x12e: {  	[bflag:$0x3] =	sbarrier.arrive $0xFFFF  }
0x12f: {  	_ =	shalt  }

</sc_bundles>
